<compile_context>
chip_gen: v7x
topology: tpu7x:2x2x1
jax: 0.10.2.dev20260603
libtpu: 0.0.44.dev20260713+nightly
codegen_flags: <defaults>
</compile_context>

<pallas_src>
import functools

import jax
import jax.numpy as jnp
from jax import lax
from jax.experimental import pallas as pl
from jax.experimental.pallas import tpu as pltpu
from jax.experimental.pallas import tpu_sc as plsc

B = 8
HC = 64
K = 20
KPAD = 32
HID = 128
DCOND = 10
LC = 128
DIN = 2 * (HC + DCOND)
_HI = lax.Precision.HIGHEST


def _elu(x):
    return jnp.where(x > 0, x, jnp.exp(x) - 1.0)


def _k0_body(lat_ref, cond_ref, w_ref, b_ref, h_ref, oh_ref):
    oh = (lax.broadcasted_iota(jnp.int32, (B, DCOND), 1) == cond_ref[...]).astype(jnp.float32)
    h = (jnp.dot(lat_ref[...], w_ref[0:LC, :], precision=_HI)
         + jnp.dot(oh, w_ref[LC:LC + DCOND, :], precision=_HI)
         + b_ref[...])
    h_ref[...] = h
    oh_ref[...] = oh


def _k0_call(latent, cond2, lin_W, lin_b2):
    n_out = lin_W.shape[1]
    return pl.pallas_call(
        _k0_body,
        out_shape=(jax.ShapeDtypeStruct((B, n_out), jnp.float32),
                   jax.ShapeDtypeStruct((B, DCOND), jnp.float32)),
    )(latent, cond2, lin_W, lin_b2)


def _pre_body(prec, xr_ref, xa_ref, oh_ref, idx_ref):
    b = pl.program_id(0)
    rblk = pl.program_id(1)
    RB = xr_ref.shape[1]
    N = xa_ref.shape[1]
    xr = xr_ref[0]
    xa = xa_ref[0]
    oh = oh_ref[0]
    xr_cat = jnp.concatenate([xr, jnp.broadcast_to(oh, (RB, DCOND))], axis=1)
    xa_cat = jnp.concatenate([xa, jnp.broadcast_to(oh, (N, DCOND))], axis=1)
    x2r = jnp.sum(xr_cat * xr_cat, axis=1)
    x2a = jnp.sum(xa_cat * xa_cat, axis=1)
    dm = (x2r[:, None] + x2a[None, :]
          - 2.0 * lax.dot_general(xr_cat, xa_cat, (((1,), (1,)), ((), ())),
                                  precision=prec))
    rows = rblk * RB + lax.broadcasted_iota(jnp.int32, (RB, N), 0)
    cols = lax.broadcasted_iota(jnp.int32, (RB, N), 1)
    dm = jnp.where(rows == cols, dm + 1e10, dm)

    def step(s, dmc):
        m = jnp.min(dmc, axis=1)
        sel = jnp.where(dmc == m[:, None], cols, jnp.int32(N))
        ids = jnp.min(sel, axis=1)
        idx_ref[0, pl.ds(s, 1), :] = (ids + b * N)[None, :]
        return jnp.where(cols == ids[:, None], jnp.float32(jnp.inf), dmc)

    lax.fori_loop(0, K, step, dm)


@functools.cache
def _pre_call(N, hi):
    RB = min(N, 256)
    grid = (B, N // RB)
    prec = _HI if hi else lax.Precision.DEFAULT
    return pl.pallas_call(
        functools.partial(_pre_body, prec),
        grid=grid,
        in_specs=[
            pl.BlockSpec((1, RB, HC), lambda b, r: (b, r, 0)),
            pl.BlockSpec((1, N, HC), lambda b, r: (b, 0, 0)),
            pl.BlockSpec((1, 1, DCOND), lambda b, r: (b, 0, 0)),
        ],
        out_specs=pl.BlockSpec((1, KPAD, RB), lambda b, r: (b, 0, r)),
        out_shape=jax.ShapeDtypeStruct((B, KPAD, N), jnp.int32),
        compiler_params=pltpu.CompilerParams(
            dimension_semantics=("parallel", "parallel")),
    )


@functools.cache
def _gather_call(R):
    info = plsc.get_sparse_core_info()
    NW = info.num_cores * info.num_subcores
    CH = 128
    rpw = R // NW
    nch = rpw // CH
    assert rpw % CH == 0 and R % NW == 0
    num_cores = info.num_cores
    mesh = plsc.VectorSubcoreMesh(core_axis_name="c", subcore_axis_name="s")

    @functools.partial(
        pl.kernel,
        out_type=jax.ShapeDtypeStruct((R, HC), jnp.float32),
        mesh=mesh,
        scratch_types=[
            pltpu.VMEM((CH,), jnp.int32),
            pltpu.VMEM((CH, HC), jnp.float32),
            pltpu.SemaphoreType.DMA,
        ],
        compiler_params=pltpu.CompilerParams(use_tc_tiling_on_sc=False),
    )
    def gk(table_hbm, idx_hbm, out_hbm, idx_v, rows_v, sem):
        wid = lax.axis_index("s") * num_cores + lax.axis_index("c")
        base = wid * rpw

        def body(c, carry):
            off = base + c * CH
            pltpu.sync_copy(idx_hbm.at[pl.ds(off, CH)], idx_v)
            pltpu.async_copy(table_hbm.at[idx_v], rows_v, sem).wait()
            pltpu.sync_copy(rows_v, out_hbm.at[pl.ds(off, CH)])
            return carry

        lax.fori_loop(0, nch, body, 0)

    return gk


def _post_body(final, g_ref, x_ref, oh_ref, w1_ref, b1_ref, w2_ref, b2_ref,
               out_ref):
    s = pl.program_id(1)
    N = x_ref.shape[1]
    xi = x_ref[0]
    oh = oh_ref[0]
    diff = g_ref[0, 0] - xi
    e = jnp.concatenate(
        [xi, jnp.broadcast_to(oh, (N, DCOND)), diff,
         jnp.zeros((N, DCOND), jnp.float32)], axis=1)
    h = _elu(jnp.dot(e, w1_ref[...]) + b1_ref[...])
    p = jnp.dot(h, w2_ref[...])

    @pl.when(s == 0)
    def _():
        out_ref[0] = p

    @pl.when(s > 0)
    def _():
        out_ref[0] = jnp.maximum(out_ref[0], p)

    @pl.when(s == K - 1)
    def _():
        r = out_ref[0] + b2_ref[...]
        out_ref[0] = jnp.tanh(r) if final else _elu(r)


@functools.cache
def _post_call(N, OUT, final):
    return pl.pallas_call(
        functools.partial(_post_body, final),
        grid=(B, K),
        in_specs=[
            pl.BlockSpec((1, 1, N, HC), lambda b, s: (b, s, 0, 0)),
            pl.BlockSpec((1, N, HC), lambda b, s: (b, 0, 0)),
            pl.BlockSpec((1, 1, DCOND), lambda b, s: (b, 0, 0)),
            pl.BlockSpec((DIN, HID), lambda b, s: (0, 0)),
            pl.BlockSpec((1, HID), lambda b, s: (0, 0)),
            pl.BlockSpec((HID, OUT), lambda b, s: (0, 0)),
            pl.BlockSpec((1, OUT), lambda b, s: (0, 0)),
        ],
        out_specs=pl.BlockSpec((1, N, OUT), lambda b, s: (b, 0, 0)),
        out_shape=jax.ShapeDtypeStruct((B, N, OUT), jnp.float32),
        compiler_params=pltpu.CompilerParams(
            dimension_semantics=("parallel", "arbitrary")),
    )


def _conv(x, oh, W1, b1, W2, b2, final=False, hi_knn=False):
    N = x.shape[1]
    OUT = W2.shape[1]
    idx = _pre_call(N, hi_knn)(x, x, oh.reshape(B, 1, DCOND))
    idx_flat = idx[:, :K, :].reshape(-1)
    g = _gather_call(B * K * N)(x.reshape(B * N, HC), idx_flat)
    G = g.reshape(B, K, N, HC)
    return _post_call(N, OUT, final)(G, x, oh.reshape(B, 1, DCOND), W1,
                                     b1.reshape(1, HID), W2,
                                     b2.reshape(1, OUT))


def kernel(latent, cond, lin_W, lin_b,
           c0_W1, c0_b1, c0_W2, c0_b2,
           u0_W1, u0_b1, u0_W2, u0_b2,
           c1_W1, c1_b1, c1_W2, c1_b2,
           u1_W1, u1_b1, u1_W2, u1_b2,
           c2_W1, c2_b1, c2_W2, c2_b2):
    cond2 = cond.reshape(B, 1).astype(jnp.int32)
    h0, oh = _k0_call(latent, cond2, lin_W, lin_b.reshape(1, -1))
    h = h0.reshape(B, 256, HC)

    h1 = _conv(h, oh, c0_W1, c0_b1, c0_W2, c0_b2)
    h1u = _conv(h1, oh, u0_W1, u0_b1, u0_W2, u0_b2)
    h2 = jnp.concatenate([h1, h1u], axis=-1).reshape(B, 512, HC)
    h3 = _conv(h2, oh, c1_W1, c1_b1, c1_W2, c1_b2)
    h3u = _conv(h3, oh, u1_W1, u1_b1, u1_W2, u1_b2)
    h4 = jnp.concatenate([h3, h3u], axis=-1).reshape(B, 1024, HC)
    out = _conv(h4, oh, c2_W1, c2_b1, c2_W2, c2_b2, final=True)
    return out.reshape(-1, 3)

# --- scband reference (transcript-rebuilt; emitter-appended) ---
"""Pipeline reference for scband-conditional-generator-81415400063196 (READ-ONLY COPY).

The authoritative reference and input builder live on the scoring server;
editing this copy changes nothing except your own understanding.
"""

import jax, jax.numpy as jnp
import numpy as np

B = 8
LC = 128
HC = 64
K = 20
UPS0 = 256
DIN = 2 * (HC + 10)
HID = 2 * HC


def _knn_idx(xb, k):
    x2 = jnp.sum(xb * xb, axis=-1)
    d = x2[:, None] + x2[None, :] - 2.0 * (xb @ xb.T)
    d = d + jnp.eye(xb.shape[0], dtype=xb.dtype) * 1e10
    _, idx = jax.lax.top_k(-d, k)
    return idx


def _ecconv(x, W1, b1, W2, b2, k=K):
    # x: [B, N, d]; dynamic-kNN EdgeConv: MLP([x_i, x_j - x_i]) with max aggregation
    def per_sample(xb):
        idx = _knn_idx(xb, k)
        xj = xb[idx]
        xi = jnp.broadcast_to(xb[:, None, :], xj.shape)
        e = jnp.concatenate([xi, xj - xi], axis=-1)
        m = jax.nn.elu(e @ W1 + b1) @ W2 + b2
        return jnp.max(m, axis=1)
    return jax.vmap(per_sample)(x)


def setup_inputs(seed: int = 0):
    key = jax.random.key(seed)
    ks = jax.random.split(key, 32)
    inp = {}
    inp["latent"] = jax.random.normal(ks[0], (B, LC), dtype=jnp.float32)
    inp["cond"] = jax.random.randint(ks[1], (B,), 0, 10, dtype=jnp.int32)
    d_lin = LC + 10
    inp["lin_W"] = jax.random.normal(ks[2], (d_lin, HC * UPS0), dtype=jnp.float32) / np.sqrt(d_lin)
    inp["lin_b"] = jnp.zeros((HC * UPS0,), dtype=jnp.float32)
    names = ["c0", "u0", "c1", "u1", "c2"]
    outs = [HC, HC, HC, HC, 3]
    for i, (n, o) in enumerate(zip(names, outs)):
        inp[n + "_W1"] = jax.random.normal(ks[3 + 4 * i], (DIN, HID), dtype=jnp.float32) / np.sqrt(DIN)
        inp[n + "_b1"] = jnp.zeros((HID,), dtype=jnp.float32)
        inp[n + "_W2"] = jax.random.normal(ks[4 + 4 * i], (HID, o), dtype=jnp.float32) / np.sqrt(HID)
        inp[n + "_b2"] = jnp.zeros((o,), dtype=jnp.float32)
    return inp


def reference(latent, cond, lin_W, lin_b,
              c0_W1, c0_b1, c0_W2, c0_b2,
              u0_W1, u0_b1, u0_W2, u0_b2,
              c1_W1, c1_b1, c1_W2, c1_b2,
              u1_W1, u1_b1, u1_W2, u1_b2,
              c2_W1, c2_b1, c2_W2, c2_b2):
    c = jax.nn.one_hot(cond, 10, dtype=latent.dtype)
    h = jnp.concatenate([latent, c], axis=1) @ lin_W + lin_b
    h = h.reshape(latent.shape[0], UPS0, HC)

    def with_cond(h):
        cc = jnp.broadcast_to(c[:, None, :], (h.shape[0], h.shape[1], 10))
        return jnp.concatenate([h, cc], axis=-1)

    # stage 0: conv then upsample (n_p = 2)
    h = jax.nn.elu(_ecconv(with_cond(h), c0_W1, c0_b1, c0_W2, c0_b2))
    h_u = jax.nn.elu(_ecconv(with_cond(h), u0_W1, u0_b1, u0_W2, u0_b2))
    h = jnp.concatenate([h, h_u], axis=-1).reshape(h.shape[0], -1, HC)
    # stage 1: conv then upsample (n_p = 2)
    h = jax.nn.elu(_ecconv(with_cond(h), c1_W1, c1_b1, c1_W2, c1_b2))
    h_u = jax.nn.elu(_ecconv(with_cond(h), u1_W1, u1_b1, u1_W2, u1_b2))
    h = jnp.concatenate([h, h_u], axis=-1).reshape(h.shape[0], -1, HC)
    # final conv to 3-d positions
    h = _ecconv(with_cond(h), c2_W1, c2_b1, c2_W2, c2_b2)
    pos = jnp.tanh(h).reshape(-1, 3)
    return pos

if __name__ == "__main__":
    import jax
    _d = setup_inputs()
    print(jax.jit(kernel)(*tuple(_d.values())))

</pallas_src>

<mosaic_0001>
#map = affine_map<(d0, d1) -> (0, 0)>
#map1 = affine_map<(d0, d1) -> (0)>
module attributes {stable_mosaic.version = 14 : i64} {
  func.func @gk(%arg0: i32, %arg1: i32, %arg2: memref<4096x64xf32, #tpu.memory_space<hbm>>, %arg3: memref<81920xi32, #tpu.memory_space<hbm>>, %arg4: memref<81920x64xf32, #tpu.memory_space<hbm>>, %arg5: memref<128xi32, #tpu.memory_space<vmem>>, %arg6: memref<128x64xf32, #tpu.memory_space<vmem>>, %arg7: memref<!tpu.dma_semaphore, #tpu.memory_space<semaphore_mem>>) attributes {dimension_semantics = [#tpu.dimension_semantics<core_parallel>, #tpu.dimension_semantics<subcore_parallel>], iteration_bounds = array<i64: 2, 16>, scalar_prefetch = 0 : i64, scratch_operands = 3 : i64, tpu.core_type = #tpu.core_type<sc_vector_subcore>, window_params = [{transform_indices = #map}, {transform_indices = #map1}, {transform_indices = #map}]} {
    %mul3A = arith.constant 2 : i32
    %mul3A_0 = arith.muli %arg1, %mul3A : i32
    %add3A = arith.addi %mul3A_0, %arg0 : i32
    %mul3A_1 = arith.constant 2560 : i32
    %mul3A_2 = arith.muli %add3A, %mul3A_1 : i32
    %scan3A = arith.constant 0 : i32
    %scan3A_3 = arith.constant 0 : i32
    %scan3A_4 = arith.constant 20 : i32
    %scan3A_5 = arith.addi %scan3A_3, %scan3A_4 : i32
    %scan3A_6 = arith.constant 1 : i32
    scf.for %scan3A_8 = %scan3A_3 to %scan3A_5 step %scan3A_6  : i32 {
      %mul3A_9 = arith.constant 128 : i32
      %mul3A_10 = arith.muli %scan3A_8, %mul3A_9 : i32
      %add3A_11 = arith.addi %mul3A_2, %mul3A_10 : i32
      "tpu.region"() ({
        %run_scoped3A = tpu.sem_alloc : memref<!tpu.dma_semaphore, #tpu.memory_space<semaphore_mem>>
        %dma_start3A_16 = tpu.memref_slice %arg3[%add3A_11] : memref<81920xi32, #tpu.memory_space<hbm>> -> memref<128xi32, #tpu.memory_space<hbm>>
        %dma_start3A_17 = tpu.memref_slice %arg3[%add3A_11] : memref<81920xi32, #tpu.memory_space<hbm>> -> memref<128xi32, #tpu.memory_space<hbm>>
        tpu.enqueue_dma source(%dma_start3A_17 : memref<128xi32, #tpu.memory_space<hbm>>) target(%arg5 : memref<128xi32, #tpu.memory_space<vmem>>) target_semaphore(%run_scoped3A : memref<!tpu.dma_semaphore, #tpu.memory_space<semaphore_mem>>)
        %dma_wait3A_18 = tpu.memref_slice %arg3[%add3A_11] : memref<81920xi32, #tpu.memory_space<hbm>> -> memref<128xi32, #tpu.memory_space<hbm>>
        %dma_wait3A_19 = tpu.memref_slice %arg3[%add3A_11] : memref<81920xi32, #tpu.memory_space<hbm>> -> memref<128xi32, #tpu.memory_space<hbm>>
        tpu.wait_dma2 semaphore(%run_scoped3A : memref<!tpu.dma_semaphore, #tpu.memory_space<semaphore_mem>>) src(%dma_wait3A_19 : memref<128xi32, #tpu.memory_space<hbm>>) dst(%arg5 : memref<128xi32, #tpu.memory_space<vmem>>)
        tpu.yield
      }) : () -> ()
      %dma_start3A = arith.constant 0 : i32
      %dma_start3A_12 = arith.constant 0 : i32
      %dma_start3A_13 = tpu.memref_slice %arg2[%dma_start3A, %dma_start3A_12] : memref<4096x64xf32, #tpu.memory_space<hbm>> -> memref<4096x64xf32, #tpu.memory_space<hbm>>
      tpu.enqueue_indirect_dma source(%dma_start3A_13 : memref<4096x64xf32, #tpu.memory_space<hbm>>) target(%arg6 : memref<128x64xf32, #tpu.memory_space<vmem>>) offsets(%arg5 : memref<128xi32, #tpu.memory_space<vmem>>) semaphore(%arg7 : memref<!tpu.dma_semaphore, #tpu.memory_space<semaphore_mem>>)
      %dma_wait3A = arith.constant 0 : i32
      %dma_wait3A_14 = arith.constant 0 : i32
      %dma_wait3A_15 = tpu.memref_slice %arg2[%dma_wait3A, %dma_wait3A_14] : memref<4096x64xf32, #tpu.memory_space<hbm>> -> memref<4096x64xf32, #tpu.memory_space<hbm>>
      tpu.wait_indirect_dma semaphore(%arg7 : memref<!tpu.dma_semaphore, #tpu.memory_space<semaphore_mem>>) src(%dma_wait3A_15 : memref<4096x64xf32, #tpu.memory_space<hbm>>) dst(%arg6 : memref<128x64xf32, #tpu.memory_space<vmem>>)
      "tpu.region"() ({
        %run_scoped3A = tpu.sem_alloc : memref<!tpu.dma_semaphore, #tpu.memory_space<semaphore_mem>>
        %dma_start3A_16 = arith.constant 0 : i32
        %dma_start3A_17 = tpu.memref_slice %arg4[%add3A_11, %dma_start3A_16] : memref<81920x64xf32, #tpu.memory_space<hbm>> -> memref<128x64xf32, #tpu.memory_space<hbm>>
        %dma_start3A_18 = arith.constant 0 : i32
        %dma_start3A_19 = tpu.memref_slice %arg4[%add3A_11, %dma_start3A_18] : memref<81920x64xf32, #tpu.memory_space<hbm>> -> memref<128x64xf32, #tpu.memory_space<hbm>>
        tpu.enqueue_dma source(%arg6 : memref<128x64xf32, #tpu.memory_space<vmem>>) target(%dma_start3A_19 : memref<128x64xf32, #tpu.memory_space<hbm>>) target_semaphore(%run_scoped3A : memref<!tpu.dma_semaphore, #tpu.memory_space<semaphore_mem>>)
        %dma_wait3A_20 = arith.constant 0 : i32
        %dma_wait3A_21 = tpu.memref_slice %arg4[%add3A_11, %dma_wait3A_20] : memref<81920x64xf32, #tpu.memory_space<hbm>> -> memref<128x64xf32, #tpu.memory_space<hbm>>
        %dma_wait3A_22 = arith.constant 0 : i32
        %dma_wait3A_23 = tpu.memref_slice %arg4[%add3A_11, %dma_wait3A_22] : memref<81920x64xf32, #tpu.memory_space<hbm>> -> memref<128x64xf32, #tpu.memory_space<hbm>>
        tpu.wait_dma2 semaphore(%run_scoped3A : memref<!tpu.dma_semaphore, #tpu.memory_space<semaphore_mem>>) src(%arg6 : memref<128x64xf32, #tpu.memory_space<vmem>>) dst(%dma_wait3A_23 : memref<128x64xf32, #tpu.memory_space<hbm>>)
        tpu.yield
      }) : () -> ()
    }
    %scan3A_7 = arith.constant 20 : i32
    return
  }
}

#map = affine_map<(d0, d1) -> (0, 0)>
#map1 = affine_map<(d0, d1) -> (0)>
module attributes {stable_mosaic.version = 14 : i64} {
  func.func @gk(%arg0: i32, %arg1: i32, %arg2: memref<2048x64xf32, #tpu.memory_space<hbm>>, %arg3: memref<40960xi32, #tpu.memory_space<hbm>>, %arg4: memref<40960x64xf32, #tpu.memory_space<hbm>>, %arg5: memref<128xi32, #tpu.memory_space<vmem>>, %arg6: memref<128x64xf32, #tpu.memory_space<vmem>>, %arg7: memref<!tpu.dma_semaphore, #tpu.memory_space<semaphore_mem>>) attributes {dimension_semantics = [#tpu.dimension_semantics<core_parallel>, #tpu.dimension_semantics<subcore_parallel>], iteration_bounds = array<i64: 2, 16>, scalar_prefetch = 0 : i64, scratch_operands = 3 : i64, tpu.core_type = #tpu.core_type<sc_vector_subcore>, window_params = [{transform_indices = #map}, {transform_indices = #map1}, {transform_indices = #map}]} {
    %mul3A = arith.constant 2 : i32
    %mul3A_0 = arith.muli %arg1, %mul3A : i32
    %add3A = arith.addi %mul3A_0, %arg0 : i32
    %mul3A_1 = arith.constant 1280 : i32
    %mul3A_2 = arith.muli %add3A, %mul3A_1 : i32
    %scan3A = arith.constant 0 : i32
    %scan3A_3 = arith.constant 0 : i32
    %scan3A_4 = arith.constant 10 : i32
    %scan3A_5 = arith.addi %scan3A_3, %scan3A_4 : i32
    %scan3A_6 = arith.constant 1 : i32
    scf.for %scan3A_8 = %scan3A_3 to %scan3A_5 step %scan3A_6  : i32 {
      %mul3A_9 = arith.constant 128 : i32
      %mul3A_10 = arith.muli %scan3A_8, %mul3A_9 : i32
      %add3A_11 = arith.addi %mul3A_2, %mul3A_10 : i32
      "tpu.region"() ({
        %run_scoped3A = tpu.sem_alloc : memref<!tpu.dma_semaphore, #tpu.memory_space<semaphore_mem>>
        %dma_start3A_16 = tpu.memref_slice %arg3[%add3A_11] : memref<40960xi32, #tpu.memory_space<hbm>> -> memref<128xi32, #tpu.memory_space<hbm>>
        %dma_start3A_17 = tpu.memref_slice %arg3[%add3A_11] : memref<40960xi32, #tpu.memory_space<hbm>> -> memref<128xi32, #tpu.memory_space<hbm>>
        tpu.enqueue_dma source(%dma_start3A_17 : memref<128xi32, #tpu.memory_space<hbm>>) target(%arg5 : memref<128xi32, #tpu.memory_space<vmem>>) target_semaphore(%run_scoped3A : memref<!tpu.dma_semaphore, #tpu.memory_space<semaphore_mem>>)
        %dma_wait3A_18 = tpu.memref_slice %arg3[%add3A_11] : memref<40960xi32, #tpu.memory_space<hbm>> -> memref<128xi32, #tpu.memory_space<hbm>>
        %dma_wait3A_19 = tpu.memref_slice %arg3[%add3A_11] : memref<40960xi32, #tpu.memory_space<hbm>> -> memref<128xi32, #tpu.memory_space<hbm>>
        tpu.wait_dma2 semaphore(%run_scoped3A : memref<!tpu.dma_semaphore, #tpu.memory_space<semaphore_mem>>) src(%dma_wait3A_19 : memref<128xi32, #tpu.memory_space<hbm>>) dst(%arg5 : memref<128xi32, #tpu.memory_space<vmem>>)
        tpu.yield
      }) : () -> ()
      %dma_start3A = arith.constant 0 : i32
      %dma_start3A_12 = arith.constant 0 : i32
      %dma_start3A_13 = tpu.memref_slice %arg2[%dma_start3A, %dma_start3A_12] : memref<2048x64xf32, #tpu.memory_space<hbm>> -> memref<2048x64xf32, #tpu.memory_space<hbm>>
      tpu.enqueue_indirect_dma source(%dma_start3A_13 : memref<2048x64xf32, #tpu.memory_space<hbm>>) target(%arg6 : memref<128x64xf32, #tpu.memory_space<vmem>>) offsets(%arg5 : memref<128xi32, #tpu.memory_space<vmem>>) semaphore(%arg7 : memref<!tpu.dma_semaphore, #tpu.memory_space<semaphore_mem>>)
      %dma_wait3A = arith.constant 0 : i32
      %dma_wait3A_14 = arith.constant 0 : i32
      %dma_wait3A_15 = tpu.memref_slice %arg2[%dma_wait3A, %dma_wait3A_14] : memref<2048x64xf32, #tpu.memory_space<hbm>> -> memref<2048x64xf32, #tpu.memory_space<hbm>>
      tpu.wait_indirect_dma semaphore(%arg7 : memref<!tpu.dma_semaphore, #tpu.memory_space<semaphore_mem>>) src(%dma_wait3A_15 : memref<2048x64xf32, #tpu.memory_space<hbm>>) dst(%arg6 : memref<128x64xf32, #tpu.memory_space<vmem>>)
      "tpu.region"() ({
        %run_scoped3A = tpu.sem_alloc : memref<!tpu.dma_semaphore, #tpu.memory_space<semaphore_mem>>
        %dma_start3A_16 = arith.constant 0 : i32
        %dma_start3A_17 = tpu.memref_slice %arg4[%add3A_11, %dma_start3A_16] : memref<40960x64xf32, #tpu.memory_space<hbm>> -> memref<128x64xf32, #tpu.memory_space<hbm>>
        %dma_start3A_18 = arith.constant 0 : i32
        %dma_start3A_19 = tpu.memref_slice %arg4[%add3A_11, %dma_start3A_18] : memref<40960x64xf32, #tpu.memory_space<hbm>> -> memref<128x64xf32, #tpu.memory_space<hbm>>
        tpu.enqueue_dma source(%arg6 : memref<128x64xf32, #tpu.memory_space<vmem>>) target(%dma_start3A_19 : memref<128x64xf32, #tpu.memory_space<hbm>>) target_semaphore(%run_scoped3A : memref<!tpu.dma_semaphore, #tpu.memory_space<semaphore_mem>>)
        %dma_wait3A_20 = arith.constant 0 : i32
        %dma_wait3A_21 = tpu.memref_slice %arg4[%add3A_11, %dma_wait3A_20] : memref<40960x64xf32, #tpu.memory_space<hbm>> -> memref<128x64xf32, #tpu.memory_space<hbm>>
        %dma_wait3A_22 = arith.constant 0 : i32
        %dma_wait3A_23 = tpu.memref_slice %arg4[%add3A_11, %dma_wait3A_22] : memref<40960x64xf32, #tpu.memory_space<hbm>> -> memref<128x64xf32, #tpu.memory_space<hbm>>
        tpu.wait_dma2 semaphore(%run_scoped3A : memref<!tpu.dma_semaphore, #tpu.memory_space<semaphore_mem>>) src(%arg6 : memref<128x64xf32, #tpu.memory_space<vmem>>) dst(%dma_wait3A_23 : memref<128x64xf32, #tpu.memory_space<hbm>>)
        tpu.yield
      }) : () -> ()
    }
    %scan3A_7 = arith.constant 10 : i32
    return
  }
}

#map = affine_map<(d0, d1) -> (0, 0)>
#map1 = affine_map<(d0, d1) -> (0)>
module attributes {stable_mosaic.version = 14 : i64} {
  func.func @gk(%arg0: i32, %arg1: i32, %arg2: memref<4096x64xf32, #tpu.memory_space<hbm>>, %arg3: memref<81920xi32, #tpu.memory_space<hbm>>, %arg4: memref<81920x64xf32, #tpu.memory_space<hbm>>, %arg5: memref<128xi32, #tpu.memory_space<vmem>>, %arg6: memref<128x64xf32, #tpu.memory_space<vmem>>, %arg7: memref<!tpu.dma_semaphore, #tpu.memory_space<semaphore_mem>>) attributes {dimension_semantics = [#tpu.dimension_semantics<core_parallel>, #tpu.dimension_semantics<subcore_parallel>], iteration_bounds = array<i64: 2, 16>, scalar_prefetch = 0 : i64, scratch_operands = 3 : i64, tpu.core_type = #tpu.core_type<sc_vector_subcore>, window_params = [{transform_indices = #map}, {transform_indices = #map1}, {transform_indices = #map}]} {
    %mul3A = arith.constant 2 : i32
    %mul3A_0 = arith.muli %arg1, %mul3A : i32
    %add3A = arith.addi %mul3A_0, %arg0 : i32
    %mul3A_1 = arith.constant 2560 : i32
    %mul3A_2 = arith.muli %add3A, %mul3A_1 : i32
    %scan3A = arith.constant 0 : i32
    %scan3A_3 = arith.constant 0 : i32
    %scan3A_4 = arith.constant 20 : i32
    %scan3A_5 = arith.addi %scan3A_3, %scan3A_4 : i32
    %scan3A_6 = arith.constant 1 : i32
    scf.for %scan3A_8 = %scan3A_3 to %scan3A_5 step %scan3A_6  : i32 {
      %mul3A_9 = arith.constant 128 : i32
      %mul3A_10 = arith.muli %scan3A_8, %mul3A_9 : i32
      %add3A_11 = arith.addi %mul3A_2, %mul3A_10 : i32
      "tpu.region"() ({
        %run_scoped3A = tpu.sem_alloc : memref<!tpu.dma_semaphore, #tpu.memory_space<semaphore_mem>>
        %dma_start3A_16 = tpu.memref_slice %arg3[%add3A_11] : memref<81920xi32, #tpu.memory_space<hbm>> -> memref<128xi32, #tpu.memory_space<hbm>>
        %dma_start3A_17 = tpu.memref_slice %arg3[%add3A_11] : memref<81920xi32, #tpu.memory_space<hbm>> -> memref<128xi32, #tpu.memory_space<hbm>>
        tpu.enqueue_dma source(%dma_start3A_17 : memref<128xi32, #tpu.memory_space<hbm>>) target(%arg5 : memref<128xi32, #tpu.memory_space<vmem>>) target_semaphore(%run_scoped3A : memref<!tpu.dma_semaphore, #tpu.memory_space<semaphore_mem>>)
        %dma_wait3A_18 = tpu.memref_slice %arg3[%add3A_11] : memref<81920xi32, #tpu.memory_space<hbm>> -> memref<128xi32, #tpu.memory_space<hbm>>
        %dma_wait3A_19 = tpu.memref_slice %arg3[%add3A_11] : memref<81920xi32, #tpu.memory_space<hbm>> -> memref<128xi32, #tpu.memory_space<hbm>>
        tpu.wait_dma2 semaphore(%run_scoped3A : memref<!tpu.dma_semaphore, #tpu.memory_space<semaphore_mem>>) src(%dma_wait3A_19 : memref<128xi32, #tpu.memory_space<hbm>>) dst(%arg5 : memref<128xi32, #tpu.memory_space<vmem>>)
        tpu.yield
      }) : () -> ()
      %dma_start3A = arith.constant 0 : i32
      %dma_start3A_12 = arith.constant 0 : i32
      %dma_start3A_13 = tpu.memref_slice %arg2[%dma_start3A, %dma_start3A_12] : memref<4096x64xf32, #tpu.memory_space<hbm>> -> memref<4096x64xf32, #tpu.memory_space<hbm>>
      tpu.enqueue_indirect_dma source(%dma_start3A_13 : memref<4096x64xf32, #tpu.memory_space<hbm>>) target(%arg6 : memref<128x64xf32, #tpu.memory_space<vmem>>) offsets(%arg5 : memref<128xi32, #tpu.memory_space<vmem>>) semaphore(%arg7 : memref<!tpu.dma_semaphore, #tpu.memory_space<semaphore_mem>>)
      %dma_wait3A = arith.constant 0 : i32
      %dma_wait3A_14 = arith.constant 0 : i32
      %dma_wait3A_15 = tpu.memref_slice %arg2[%dma_wait3A, %dma_wait3A_14] : memref<4096x64xf32, #tpu.memory_space<hbm>> -> memref<4096x64xf32, #tpu.memory_space<hbm>>
      tpu.wait_indirect_dma semaphore(%arg7 : memref<!tpu.dma_semaphore, #tpu.memory_space<semaphore_mem>>) src(%dma_wait3A_15 : memref<4096x64xf32, #tpu.memory_space<hbm>>) dst(%arg6 : memref<128x64xf32, #tpu.memory_space<vmem>>)
      "tpu.region"() ({
        %run_scoped3A = tpu.sem_alloc : memref<!tpu.dma_semaphore, #tpu.memory_space<semaphore_mem>>
        %dma_start3A_16 = arith.constant 0 : i32
        %dma_start3A_17 = tpu.memref_slice %arg4[%add3A_11, %dma_start3A_16] : memref<81920x64xf32, #tpu.memory_space<hbm>> -> memref<128x64xf32, #tpu.memory_space<hbm>>
        %dma_start3A_18 = arith.constant 0 : i32
        %dma_start3A_19 = tpu.memref_slice %arg4[%add3A_11, %dma_start3A_18] : memref<81920x64xf32, #tpu.memory_space<hbm>> -> memref<128x64xf32, #tpu.memory_space<hbm>>
        tpu.enqueue_dma source(%arg6 : memref<128x64xf32, #tpu.memory_space<vmem>>) target(%dma_start3A_19 : memref<128x64xf32, #tpu.memory_space<hbm>>) target_semaphore(%run_scoped3A : memref<!tpu.dma_semaphore, #tpu.memory_space<semaphore_mem>>)
        %dma_wait3A_20 = arith.constant 0 : i32
        %dma_wait3A_21 = tpu.memref_slice %arg4[%add3A_11, %dma_wait3A_20] : memref<81920x64xf32, #tpu.memory_space<hbm>> -> memref<128x64xf32, #tpu.memory_space<hbm>>
        %dma_wait3A_22 = arith.constant 0 : i32
        %dma_wait3A_23 = tpu.memref_slice %arg4[%add3A_11, %dma_wait3A_22] : memref<81920x64xf32, #tpu.memory_space<hbm>> -> memref<128x64xf32, #tpu.memory_space<hbm>>
        tpu.wait_dma2 semaphore(%run_scoped3A : memref<!tpu.dma_semaphore, #tpu.memory_space<semaphore_mem>>) src(%arg6 : memref<128x64xf32, #tpu.memory_space<vmem>>) dst(%dma_wait3A_23 : memref<128x64xf32, #tpu.memory_space<hbm>>)
        tpu.yield
      }) : () -> ()
    }
    %scan3A_7 = arith.constant 20 : i32
    return
  }
}

#map = affine_map<(d0, d1) -> (0, 0)>
#map1 = affine_map<(d0, d1) -> (0)>
module attributes {stable_mosaic.version = 14 : i64} {
  func.func @gk(%arg0: i32, %arg1: i32, %arg2: memref<2048x64xf32, #tpu.memory_space<hbm>>, %arg3: memref<40960xi32, #tpu.memory_space<hbm>>, %arg4: memref<40960x64xf32, #tpu.memory_space<hbm>>, %arg5: memref<128xi32, #tpu.memory_space<vmem>>, %arg6: memref<128x64xf32, #tpu.memory_space<vmem>>, %arg7: memref<!tpu.dma_semaphore, #tpu.memory_space<semaphore_mem>>) attributes {dimension_semantics = [#tpu.dimension_semantics<core_parallel>, #tpu.dimension_semantics<subcore_parallel>], iteration_bounds = array<i64: 2, 16>, scalar_prefetch = 0 : i64, scratch_operands = 3 : i64, tpu.core_type = #tpu.core_type<sc_vector_subcore>, window_params = [{transform_indices = #map}, {transform_indices = #map1}, {transform_indices = #map}]} {
    %mul3A = arith.constant 2 : i32
    %mul3A_0 = arith.muli %arg1, %mul3A : i32
    %add3A = arith.addi %mul3A_0, %arg0 : i32
    %mul3A_1 = arith.constant 1280 : i32
    %mul3A_2 = arith.muli %add3A, %mul3A_1 : i32
    %scan3A = arith.constant 0 : i32
    %scan3A_3 = arith.constant 0 : i32
    %scan3A_4 = arith.constant 10 : i32
    %scan3A_5 = arith.addi %scan3A_3, %scan3A_4 : i32
    %scan3A_6 = arith.constant 1 : i32
    scf.for %scan3A_8 = %scan3A_3 to %scan3A_5 step %scan3A_6  : i32 {
      %mul3A_9 = arith.constant 128 : i32
      %mul3A_10 = arith.muli %scan3A_8, %mul3A_9 : i32
      %add3A_11 = arith.addi %mul3A_2, %mul3A_10 : i32
      "tpu.region"() ({
        %run_scoped3A = tpu.sem_alloc : memref<!tpu.dma_semaphore, #tpu.memory_space<semaphore_mem>>
        %dma_start3A_16 = tpu.memref_slice %arg3[%add3A_11] : memref<40960xi32, #tpu.memory_space<hbm>> -> memref<128xi32, #tpu.memory_space<hbm>>
        %dma_start3A_17 = tpu.memref_slice %arg3[%add3A_11] : memref<40960xi32, #tpu.memory_space<hbm>> -> memref<128xi32, #tpu.memory_space<hbm>>
        tpu.enqueue_dma source(%dma_start3A_17 : memref<128xi32, #tpu.memory_space<hbm>>) target(%arg5 : memref<128xi32, #tpu.memory_space<vmem>>) target_semaphore(%run_scoped3A : memref<!tpu.dma_semaphore, #tpu.memory_space<semaphore_mem>>)
        %dma_wait3A_18 = tpu.memref_slice %arg3[%add3A_11] : memref<40960xi32, #tpu.memory_space<hbm>> -> memref<128xi32, #tpu.memory_space<hbm>>
        %dma_wait3A_19 = tpu.memref_slice %arg3[%add3A_11] : memref<40960xi32, #tpu.memory_space<hbm>> -> memref<128xi32, #tpu.memory_space<hbm>>
        tpu.wait_dma2 semaphore(%run_scoped3A : memref<!tpu.dma_semaphore, #tpu.memory_space<semaphore_mem>>) src(%dma_wait3A_19 : memref<128xi32, #tpu.memory_space<hbm>>) dst(%arg5 : memref<128xi32, #tpu.memory_space<vmem>>)
        tpu.yield
      }) : () -> ()
      %dma_start3A = arith.constant 0 : i32
      %dma_start3A_12 = arith.constant 0 : i32
      %dma_start3A_13 = tpu.memref_slice %arg2[%dma_start3A, %dma_start3A_12] : memref<2048x64xf32, #tpu.memory_space<hbm>> -> memref<2048x64xf32, #tpu.memory_space<hbm>>
      tpu.enqueue_indirect_dma source(%dma_start3A_13 : memref<2048x64xf32, #tpu.memory_space<hbm>>) target(%arg6 : memref<128x64xf32, #tpu.memory_space<vmem>>) offsets(%arg5 : memref<128xi32, #tpu.memory_space<vmem>>) semaphore(%arg7 : memref<!tpu.dma_semaphore, #tpu.memory_space<semaphore_mem>>)
      %dma_wait3A = arith.constant 0 : i32
      %dma_wait3A_14 = arith.constant 0 : i32
      %dma_wait3A_15 = tpu.memref_slice %arg2[%dma_wait3A, %dma_wait3A_14] : memref<2048x64xf32, #tpu.memory_space<hbm>> -> memref<2048x64xf32, #tpu.memory_space<hbm>>
      tpu.wait_indirect_dma semaphore(%arg7 : memref<!tpu.dma_semaphore, #tpu.memory_space<semaphore_mem>>) src(%dma_wait3A_15 : memref<2048x64xf32, #tpu.memory_space<hbm>>) dst(%arg6 : memref<128x64xf32, #tpu.memory_space<vmem>>)
      "tpu.region"() ({
        %run_scoped3A = tpu.sem_alloc : memref<!tpu.dma_semaphore, #tpu.memory_space<semaphore_mem>>
        %dma_start3A_16 = arith.constant 0 : i32
        %dma_start3A_17 = tpu.memref_slice %arg4[%add3A_11, %dma_start3A_16] : memref<40960x64xf32, #tpu.memory_space<hbm>> -> memref<128x64xf32, #tpu.memory_space<hbm>>
        %dma_start3A_18 = arith.constant 0 : i32
        %dma_start3A_19 = tpu.memref_slice %arg4[%add3A_11, %dma_start3A_18] : memref<40960x64xf32, #tpu.memory_space<hbm>> -> memref<128x64xf32, #tpu.memory_space<hbm>>
        tpu.enqueue_dma source(%arg6 : memref<128x64xf32, #tpu.memory_space<vmem>>) target(%dma_start3A_19 : memref<128x64xf32, #tpu.memory_space<hbm>>) target_semaphore(%run_scoped3A : memref<!tpu.dma_semaphore, #tpu.memory_space<semaphore_mem>>)
        %dma_wait3A_20 = arith.constant 0 : i32
        %dma_wait3A_21 = tpu.memref_slice %arg4[%add3A_11, %dma_wait3A_20] : memref<40960x64xf32, #tpu.memory_space<hbm>> -> memref<128x64xf32, #tpu.memory_space<hbm>>
        %dma_wait3A_22 = arith.constant 0 : i32
        %dma_wait3A_23 = tpu.memref_slice %arg4[%add3A_11, %dma_wait3A_22] : memref<40960x64xf32, #tpu.memory_space<hbm>> -> memref<128x64xf32, #tpu.memory_space<hbm>>
        tpu.wait_dma2 semaphore(%run_scoped3A : memref<!tpu.dma_semaphore, #tpu.memory_space<semaphore_mem>>) src(%arg6 : memref<128x64xf32, #tpu.memory_space<vmem>>) dst(%dma_wait3A_23 : memref<128x64xf32, #tpu.memory_space<hbm>>)
        tpu.yield
      }) : () -> ()
    }
    %scan3A_7 = arith.constant 10 : i32
    return
  }
}

#map = affine_map<(d0, d1) -> (0, 0)>
#map1 = affine_map<(d0, d1) -> (0)>
module attributes {stable_mosaic.version = 14 : i64} {
  func.func @gk(%arg0: i32, %arg1: i32, %arg2: memref<8192x64xf32, #tpu.memory_space<hbm>>, %arg3: memref<163840xi32, #tpu.memory_space<hbm>>, %arg4: memref<163840x64xf32, #tpu.memory_space<hbm>>, %arg5: memref<128xi32, #tpu.memory_space<vmem>>, %arg6: memref<128x64xf32, #tpu.memory_space<vmem>>, %arg7: memref<!tpu.dma_semaphore, #tpu.memory_space<semaphore_mem>>) attributes {dimension_semantics = [#tpu.dimension_semantics<core_parallel>, #tpu.dimension_semantics<subcore_parallel>], iteration_bounds = array<i64: 2, 16>, scalar_prefetch = 0 : i64, scratch_operands = 3 : i64, tpu.core_type = #tpu.core_type<sc_vector_subcore>, window_params = [{transform_indices = #map}, {transform_indices = #map1}, {transform_indices = #map}]} {
    %mul3A = arith.constant 2 : i32
    %mul3A_0 = arith.muli %arg1, %mul3A : i32
    %add3A = arith.addi %mul3A_0, %arg0 : i32
    %mul3A_1 = arith.constant 5120 : i32
    %mul3A_2 = arith.muli %add3A, %mul3A_1 : i32
    %scan3A = arith.constant 0 : i32
    %scan3A_3 = arith.constant 0 : i32
    %scan3A_4 = arith.constant 40 : i32
    %scan3A_5 = arith.addi %scan3A_3, %scan3A_4 : i32
    %scan3A_6 = arith.constant 1 : i32
    scf.for %scan3A_8 = %scan3A_3 to %scan3A_5 step %scan3A_6  : i32 {
      %mul3A_9 = arith.constant 128 : i32
      %mul3A_10 = arith.muli %scan3A_8, %mul3A_9 : i32
      %add3A_11 = arith.addi %mul3A_2, %mul3A_10 : i32
      "tpu.region"() ({
        %run_scoped3A = tpu.sem_alloc : memref<!tpu.dma_semaphore, #tpu.memory_space<semaphore_mem>>
        %dma_start3A_16 = tpu.memref_slice %arg3[%add3A_11] : memref<163840xi32, #tpu.memory_space<hbm>> -> memref<128xi32, #tpu.memory_space<hbm>>
        %dma_start3A_17 = tpu.memref_slice %arg3[%add3A_11] : memref<163840xi32, #tpu.memory_space<hbm>> -> memref<128xi32, #tpu.memory_space<hbm>>
        tpu.enqueue_dma source(%dma_start3A_17 : memref<128xi32, #tpu.memory_space<hbm>>) target(%arg5 : memref<128xi32, #tpu.memory_space<vmem>>) target_semaphore(%run_scoped3A : memref<!tpu.dma_semaphore, #tpu.memory_space<semaphore_mem>>)
        %dma_wait3A_18 = tpu.memref_slice %arg3[%add3A_11] : memref<163840xi32, #tpu.memory_space<hbm>> -> memref<128xi32, #tpu.memory_space<hbm>>
        %dma_wait3A_19 = tpu.memref_slice %arg3[%add3A_11] : memref<163840xi32, #tpu.memory_space<hbm>> -> memref<128xi32, #tpu.memory_space<hbm>>
        tpu.wait_dma2 semaphore(%run_scoped3A : memref<!tpu.dma_semaphore, #tpu.memory_space<semaphore_mem>>) src(%dma_wait3A_19 : memref<128xi32, #tpu.memory_space<hbm>>) dst(%arg5 : memref<128xi32, #tpu.memory_space<vmem>>)
        tpu.yield
      }) : () -> ()
      %dma_start3A = arith.constant 0 : i32
      %dma_start3A_12 = arith.constant 0 : i32
      %dma_start3A_13 = tpu.memref_slice %arg2[%dma_start3A, %dma_start3A_12] : memref<8192x64xf32, #tpu.memory_space<hbm>> -> memref<8192x64xf32, #tpu.memory_space<hbm>>
      tpu.enqueue_indirect_dma source(%dma_start3A_13 : memref<8192x64xf32, #tpu.memory_space<hbm>>) target(%arg6 : memref<128x64xf32, #tpu.memory_space<vmem>>) offsets(%arg5 : memref<128xi32, #tpu.memory_space<vmem>>) semaphore(%arg7 : memref<!tpu.dma_semaphore, #tpu.memory_space<semaphore_mem>>)
      %dma_wait3A = arith.constant 0 : i32
      %dma_wait3A_14 = arith.constant 0 : i32
      %dma_wait3A_15 = tpu.memref_slice %arg2[%dma_wait3A, %dma_wait3A_14] : memref<8192x64xf32, #tpu.memory_space<hbm>> -> memref<8192x64xf32, #tpu.memory_space<hbm>>
      tpu.wait_indirect_dma semaphore(%arg7 : memref<!tpu.dma_semaphore, #tpu.memory_space<semaphore_mem>>) src(%dma_wait3A_15 : memref<8192x64xf32, #tpu.memory_space<hbm>>) dst(%arg6 : memref<128x64xf32, #tpu.memory_space<vmem>>)
      "tpu.region"() ({
        %run_scoped3A = tpu.sem_alloc : memref<!tpu.dma_semaphore, #tpu.memory_space<semaphore_mem>>
        %dma_start3A_16 = arith.constant 0 : i32
        %dma_start3A_17 = tpu.memref_slice %arg4[%add3A_11, %dma_start3A_16] : memref<163840x64xf32, #tpu.memory_space<hbm>> -> memref<128x64xf32, #tpu.memory_space<hbm>>
        %dma_start3A_18 = arith.constant 0 : i32
        %dma_start3A_19 = tpu.memref_slice %arg4[%add3A_11, %dma_start3A_18] : memref<163840x64xf32, #tpu.memory_space<hbm>> -> memref<128x64xf32, #tpu.memory_space<hbm>>
        tpu.enqueue_dma source(%arg6 : memref<128x64xf32, #tpu.memory_space<vmem>>) target(%dma_start3A_19 : memref<128x64xf32, #tpu.memory_space<hbm>>) target_semaphore(%run_scoped3A : memref<!tpu.dma_semaphore, #tpu.memory_space<semaphore_mem>>)
        %dma_wait3A_20 = arith.constant 0 : i32
        %dma_wait3A_21 = tpu.memref_slice %arg4[%add3A_11, %dma_wait3A_20] : memref<163840x64xf32, #tpu.memory_space<hbm>> -> memref<128x64xf32, #tpu.memory_space<hbm>>
        %dma_wait3A_22 = arith.constant 0 : i32
        %dma_wait3A_23 = tpu.memref_slice %arg4[%add3A_11, %dma_wait3A_22] : memref<163840x64xf32, #tpu.memory_space<hbm>> -> memref<128x64xf32, #tpu.memory_space<hbm>>
        tpu.wait_dma2 semaphore(%run_scoped3A : memref<!tpu.dma_semaphore, #tpu.memory_space<semaphore_mem>>) src(%arg6 : memref<128x64xf32, #tpu.memory_space<vmem>>) dst(%dma_wait3A_23 : memref<128x64xf32, #tpu.memory_space<hbm>>)
        tpu.yield
      }) : () -> ()
    }
    %scan3A_7 = arith.constant 40 : i32
    return
  }
}

module attributes {stable_mosaic.version = 14 : i64} {
  func.func @_pre_body(%arg0: i32, %arg1: i32, %arg2: memref<1x256x64xf32, #tpu.memory_space<vmem>>, %arg3: memref<1x256x64xf32, #tpu.memory_space<vmem>>, %arg4: memref<1x1x10xf32, #tpu.memory_space<vmem>>, %arg5: memref<1x32x256xi32, #tpu.memory_space<vmem>>) attributes {dimension_semantics = [#tpu.dimension_semantics<parallel>, #tpu.dimension_semantics<parallel>], iteration_bounds = array<i64: 8, 1>, scalar_prefetch = 0 : i64, scratch_operands = 0 : i64, tpu.core_type = #tpu.core_type<tc>, window_params = [{transform_indices = @transform_0, window_bounds = array<i64: 1, 256, 64>}, {transform_indices = @transform_1, window_bounds = array<i64: 1, 256, 64>}, {transform_indices = @transform_2, window_bounds = array<i64: 1, 1, 10>}, {transform_indices = @transform_3, window_bounds = array<i64: 1, 32, 256>}]} {
    %get3A = arith.constant 0 : index
    %get3A_0 = arith.constant 0 : index
    %get3A_1 = arith.constant 0 : index
    %get3A_2 = vector.load %arg2[%get3A, %get3A_0, %get3A_1] : memref<1x256x64xf32, #tpu.memory_space<vmem>>, vector<1x256x64xf32>
    %get3A_3 = vector.shape_cast %get3A_2 : vector<1x256x64xf32> to vector<256x64xf32>
    %get3A_4 = arith.constant 0 : index
    %get3A_5 = arith.constant 0 : index
    %get3A_6 = arith.constant 0 : index
    %get3A_7 = vector.load %arg3[%get3A_4, %get3A_5, %get3A_6] : memref<1x256x64xf32, #tpu.memory_space<vmem>>, vector<1x256x64xf32>
    %get3A_8 = vector.shape_cast %get3A_7 : vector<1x256x64xf32> to vector<256x64xf32>
    %get3A_9 = arith.constant 0 : index
    %get3A_10 = arith.constant 0 : index
    %get3A_11 = arith.constant 0 : index
    %get3A_12 = vector.load %arg4[%get3A_9, %get3A_10, %get3A_11] : memref<1x1x10xf32, #tpu.memory_space<vmem>>, vector<1x1x10xf32>
    %get3A_13 = vector.shape_cast %get3A_12 : vector<1x1x10xf32> to vector<1x10xf32>
    %broadcast_in_dim3A = vector.shape_cast %get3A_13 : vector<1x10xf32> to vector<1x10xf32>
    %broadcast_in_dim3A_14 = vector.broadcast %broadcast_in_dim3A : vector<1x10xf32> to vector<256x10xf32>
    %concatenate3A = tpu.concatenate %get3A_3, %broadcast_in_dim3A_14 in 1 : vector<256x64xf32>, vector<256x10xf32> -> vector<256x74xf32>
    %broadcast_in_dim3A_15 = vector.shape_cast %get3A_13 : vector<1x10xf32> to vector<1x10xf32>
    %broadcast_in_dim3A_16 = vector.broadcast %broadcast_in_dim3A_15 : vector<1x10xf32> to vector<256x10xf32>
    %concatenate3A_17 = tpu.concatenate %get3A_8, %broadcast_in_dim3A_16 in 1 : vector<256x64xf32>, vector<256x10xf32> -> vector<256x74xf32>
    %mul3A = arith.mulf %concatenate3A, %concatenate3A : vector<256x74xf32>
    %reduce_sum3A = arith.constant dense<0.000000e+00> : vector<256xf32>
    %reduce_sum3A_18 = vector.multi_reduction <add>, %mul3A, %reduce_sum3A [1] : vector<256x74xf32> to vector<256xf32>
    %mul3A_19 = arith.mulf %concatenate3A_17, %concatenate3A_17 : vector<256x74xf32>
    %reduce_sum3A_20 = arith.constant dense<0.000000e+00> : vector<256xf32>
    %reduce_sum3A_21 = vector.multi_reduction <add>, %mul3A_19, %reduce_sum3A_20 [1] : vector<256x74xf32> to vector<256xf32>
    %broadcast_in_dim3A_22 = vector.shape_cast %reduce_sum3A_18 : vector<256xf32> to vector<256x1xf32>
    %broadcast_in_dim3A_23 = vector.shape_cast %reduce_sum3A_21 : vector<256xf32> to vector<1x256xf32>
    %add3A = vector.broadcast %broadcast_in_dim3A_22 : vector<256x1xf32> to vector<256x256xf32>
    %add3A_24 = vector.broadcast %broadcast_in_dim3A_23 : vector<1x256xf32> to vector<256x256xf32>
    %add3A_25 = arith.addf %add3A, %add3A_24 : vector<256x256xf32>
    %dot_general3A = arith.constant dense<0.000000e+00> : vector<256x256xf32>
    %dot_general3A_26 = tpu.matmul %concatenate3A, %concatenate3A_17, %dot_general3A {dimension_numbers = #tpu.dot_dimension_numbers<[1], [1], [0], [0], [0, 0, 1, 0], [], []>, transpose_lhs_hint = false} : vector<256x74xf32>, vector<256x74xf32>, vector<256x256xf32> -> vector<256x256xf32>
    %mul3A_27 = arith.constant 2.000000e+00 : f32
    %mul3A_28 = vector.broadcast %mul3A_27 : f32 to vector<256x256xf32>
    %mul3A_29 = arith.mulf %mul3A_28, %dot_general3A_26 : vector<256x256xf32>
    %sub3A = arith.subf %add3A_25, %mul3A_29 : vector<256x256xf32>
    %mul3A_30 = arith.constant 256 : i32
    %mul3A_31 = arith.muli %arg1, %mul3A_30 : i32
    %iota3A = tpu.iota {dimensions = array<i32: 0>} : vector<256x256xi32>
    %add3A_32 = vector.broadcast %mul3A_31 : i32 to vector<256x256xi32>
    %add3A_33 = arith.addi %add3A_32, %iota3A : vector<256x256xi32>
    %iota3A_34 = tpu.iota {dimensions = array<i32: 1>} : vector<256x256xi32>
    %eq3A = arith.cmpi eq, %add3A_33, %iota3A_34 : vector<256x256xi32>
    %add3A_35 = arith.constant 1.000000e+10 : f32
    %add3A_36 = vector.broadcast %add3A_35 : f32 to vector<256x256xf32>
    %add3A_37 = arith.addf %sub3A, %add3A_36 : vector<256x256xf32>
    %select_n3A = arith.select %eq3A, %add3A_37, %sub3A : vector<256x256xi1>, vector<256x256xf32>
    %scan3A = arith.constant 0 : i32
    %scan3A_38 = arith.constant 20 : i32
    %scan3A_39 = arith.addi %scan3A, %scan3A_38 : i32
    %scan3A_40 = arith.constant 1 : i32
    %scan3A_41 = scf.for %scan3A_43 = %scan3A to %scan3A_39 step %scan3A_40 iter_args(%scan3A_44 = %select_n3A) -> (vector<256x256xf32>)  : i32 {
      %reduce_min3A = arith.constant dense<0x7F800000> : vector<256xf32>
      %reduce_min3A_45 = vector.multi_reduction <minimumf>, %scan3A_44, %reduce_min3A [1] : vector<256x256xf32> to vector<256xf32>
      %broadcast_in_dim3A_46 = vector.shape_cast %reduce_min3A_45 : vector<256xf32> to vector<256x1xf32>
      %eq3A_47 = vector.broadcast %broadcast_in_dim3A_46 : vector<256x1xf32> to vector<256x256xf32>
      %eq3A_48 = arith.cmpf oeq, %scan3A_44, %eq3A_47 : vector<256x256xf32>
      %jit3A = arith.constant 256 : i32
      %broadcast_in_dim3A_49 = vector.broadcast %jit3A : i32 to vector<256x256xi32>
      %select_n3A_50 = arith.select %eq3A_48, %iota3A_34, %broadcast_in_dim3A_49 : vector<256x256xi1>, vector<256x256xi32>
      %reduce_min3A_51 = arith.constant dense<2147483647> : vector<256xi32>
      %reduce_min3A_52 = vector.multi_reduction <minsi>, %select_n3A_50, %reduce_min3A_51 [1] : vector<256x256xi32> to vector<256xi32>
      %mul3A_53 = arith.constant 256 : i32
      %mul3A_54 = arith.muli %arg0, %mul3A_53 : i32
      %add3A_55 = vector.broadcast %mul3A_54 : i32 to vector<256xi32>
      %add3A_56 = arith.addi %reduce_min3A_52, %add3A_55 : vector<256xi32>
      %broadcast_in_dim3A_57 = vector.shape_cast %add3A_56 : vector<256xi32> to vector<1x256xi32>
      %swap3A = arith.constant 0 : index
      %swap3A_58 = arith.index_cast %scan3A_43 : i32 to index
      %swap3A_59 = arith.constant 0 : index
      %swap3A_60 = vector.load %arg5[%swap3A, %swap3A_58, %swap3A_59] : memref<1x32x256xi32, #tpu.memory_space<vmem>>, vector<1x1x256xi32>
      %swap3A_61 = vector.shape_cast %swap3A_60 : vector<1x1x256xi32> to vector<1x256xi32>
      %swap3A_62 = vector.shape_cast %broadcast_in_dim3A_57 : vector<1x256xi32> to vector<1x1x256xi32>
      tpu.vector_store %arg5[%swap3A, %swap3A_58, %swap3A_59], %swap3A_62 {strides = array<i32>} : memref<1x32x256xi32, #tpu.memory_space<vmem>>, vector<1x1x256xi32>,
      %broadcast_in_dim3A_63 = vector.shape_cast %reduce_min3A_52 : vector<256xi32> to vector<256x1xi32>
      %eq3A_64 = vector.broadcast %broadcast_in_dim3A_63 : vector<256x1xi32> to vector<256x256xi32>
      %eq3A_65 = arith.cmpi eq, %iota3A_34, %eq3A_64 : vector<256x256xi32>
      %jit3A_66 = arith.constant 0x7F800000 : f32
      %broadcast_in_dim3A_67 = vector.broadcast %jit3A_66 : f32 to vector<256x256xf32>
      %select_n3A_68 = arith.select %eq3A_65, %broadcast_in_dim3A_67, %scan3A_44 : vector<256x256xi1>, vector<256x256xf32>
      scf.yield %select_n3A_68 : vector<256x256xf32>
    }
    %scan3A_42 = arith.constant 20 : i32
    return
  }
  func.func @transform_0(%arg0: i32, %arg1: i32) -> (i32, i32, i32) {
    %c0_i32 = arith.constant 0 : i32
    %c0_i32_0 = arith.constant 0 : i32
    return %arg0, %arg1, %c0_i32 : i32, i32, i32
  }
  func.func @transform_1(%arg0: i32, %arg1: i32) -> (i32, i32, i32) {
    %c0_i32 = arith.constant 0 : i32
    %c0_i32_0 = arith.constant 0 : i32
    %c0_i32_1 = arith.constant 0 : i32
    return %arg0, %c0_i32, %c0_i32_0 : i32, i32, i32
  }
  func.func @transform_2(%arg0: i32, %arg1: i32) -> (i32, i32, i32) {
    %c0_i32 = arith.constant 0 : i32
    %c0_i32_0 = arith.constant 0 : i32
    %c0_i32_1 = arith.constant 0 : i32
    return %arg0, %c0_i32, %c0_i32_0 : i32, i32, i32
  }
  func.func @transform_3(%arg0: i32, %arg1: i32) -> (i32, i32, i32) {
    %c0_i32 = arith.constant 0 : i32
    %c0_i32_0 = arith.constant 0 : i32
    return %arg0, %c0_i32, %arg1 : i32, i32, i32
  }
}

module attributes {stable_mosaic.version = 14 : i64} {
  func.func @_k0_body(%arg0: memref<8x128xf32, #tpu.memory_space<vmem>>, %arg1: memref<8x1xi32, #tpu.memory_space<vmem>>, %arg2: memref<138x16384xf32, #tpu.memory_space<vmem>>, %arg3: memref<1x16384xf32, #tpu.memory_space<vmem>>, %arg4: memref<8x16384xf32, #tpu.memory_space<vmem>>, %arg5: memref<8x10xf32, #tpu.memory_space<vmem>>) attributes {dimension_semantics = [], scalar_prefetch = 0 : i64, scratch_operands = 0 : i64, tpu.core_type = #tpu.core_type<tc>} {
    %iota3A = tpu.iota {dimensions = array<i32: 1>} : vector<8x10xi32>
    %get3A = arith.constant 0 : index
    %get3A_0 = arith.constant 0 : index
    %get3A_1 = vector.load %arg1[%get3A, %get3A_0] : memref<8x1xi32, #tpu.memory_space<vmem>>, vector<8x1xi32>
    %eq3A = vector.broadcast %get3A_1 : vector<8x1xi32> to vector<8x10xi32>
    %eq3A_2 = arith.cmpi eq, %iota3A, %eq3A : vector<8x10xi32>
    %convert_element_type3A = arith.extui %eq3A_2 : vector<8x10xi1> to vector<8x10xi32>
    %convert_element_type3A_3 = arith.sitofp %convert_element_type3A : vector<8x10xi32> to vector<8x10xf32>
    %get3A_4 = arith.constant 0 : index
    %get3A_5 = arith.constant 0 : index
    %get3A_6 = vector.load %arg0[%get3A_4, %get3A_5] : memref<8x128xf32, #tpu.memory_space<vmem>>, vector<8x128xf32>
    %get3A_7 = arith.constant 0 : index
    %get3A_8 = arith.constant 0 : index
    %get3A_9 = vector.load %arg2[%get3A_7, %get3A_8] : memref<138x16384xf32, #tpu.memory_space<vmem>>, vector<128x16384xf32>
    %dot_general3A = arith.constant dense<0.000000e+00> : vector<8x16384xf32>
    %dot_general3A_10 = tpu.matmul %get3A_6, %get3A_9, %dot_general3A {dimension_numbers = #tpu.dot_dimension_numbers<[1], [0], [0], [1], [0, 0, 1, 1], [], []>, precision = #tpu.contract_precision<fp32>, transpose_lhs_hint = false} : vector<8x128xf32>, vector<128x16384xf32>, vector<8x16384xf32> -> vector<8x16384xf32>
    %get3A_11 = arith.constant 128 : index
    %get3A_12 = arith.constant 0 : index
    %get3A_13 = vector.load %arg2[%get3A_11, %get3A_12] : memref<138x16384xf32, #tpu.memory_space<vmem>>, vector<10x16384xf32>
    %dot_general3A_14 = arith.constant dense<0.000000e+00> : vector<8x16384xf32>
    %dot_general3A_15 = tpu.matmul %convert_element_type3A_3, %get3A_13, %dot_general3A_14 {dimension_numbers = #tpu.dot_dimension_numbers<[1], [0], [0], [1], [0, 0, 1, 1], [], []>, precision = #tpu.contract_precision<fp32>, transpose_lhs_hint = false} : vector<8x10xf32>, vector<10x16384xf32>, vector<8x16384xf32> -> vector<8x16384xf32>
    %add3A = arith.addf %dot_general3A_10, %dot_general3A_15 : vector<8x16384xf32>
    %get3A_16 = arith.constant 0 : index
    %get3A_17 = arith.constant 0 : index
    %get3A_18 = vector.load %arg3[%get3A_16, %get3A_17] : memref<1x16384xf32, #tpu.memory_space<vmem>>, vector<1x16384xf32>
    %add3A_19 = vector.broadcast %get3A_18 : vector<1x16384xf32> to vector<8x16384xf32>
    %add3A_20 = arith.addf %add3A, %add3A_19 : vector<8x16384xf32>
    %swap3A = arith.constant 0 : index
    %swap3A_21 = arith.constant 0 : index
    %swap3A_22 = vector.load %arg4[%swap3A, %swap3A_21] : memref<8x16384xf32, #tpu.memory_space<vmem>>, vector<8x16384xf32>
    tpu.vector_store %arg4[%swap3A, %swap3A_21], %add3A_20 {strides = array<i32>} : memref<8x16384xf32, #tpu.memory_space<vmem>>, vector<8x16384xf32>,
    %swap3A_23 = arith.constant 0 : index
    %swap3A_24 = arith.constant 0 : index
    %swap3A_25 = vector.load %arg5[%swap3A_23, %swap3A_24] : memref<8x10xf32, #tpu.memory_space<vmem>>, vector<8x10xf32>
    tpu.vector_store %arg5[%swap3A_23, %swap3A_24], %convert_element_type3A_3 {strides = array<i32>} : memref<8x10xf32, #tpu.memory_space<vmem>>, vector<8x10xf32>,
    return
  }
}

module attributes {stable_mosaic.version = 14 : i64} {
  func.func @_post_body(%arg0: i32, %arg1: i32, %arg2: memref<1x1x256x64xf32, #tpu.memory_space<vmem>>, %arg3: memref<1x256x64xf32, #tpu.memory_space<vmem>>, %arg4: memref<1x1x10xf32, #tpu.memory_space<vmem>>, %arg5: memref<148x128xf32, #tpu.memory_space<vmem>>, %arg6: memref<1x128xf32, #tpu.memory_space<vmem>>, %arg7: memref<128x64xf32, #tpu.memory_space<vmem>>, %arg8: memref<1x64xf32, #tpu.memory_space<vmem>>, %arg9: memref<1x256x64xf32, #tpu.memory_space<vmem>>) attributes {dimension_semantics = [#tpu.dimension_semantics<parallel>, #tpu.dimension_semantics<arbitrary>], iteration_bounds = array<i64: 8, 20>, scalar_prefetch = 0 : i64, scratch_operands = 0 : i64, tpu.core_type = #tpu.core_type<tc>, window_params = [{transform_indices = @transform_0, window_bounds = array<i64: 1, 1, 256, 64>}, {transform_indices = @transform_1, window_bounds = array<i64: 1, 256, 64>}, {transform_indices = @transform_2, window_bounds = array<i64: 1, 1, 10>}, {pipeline_mode = #tpu.pipeline_mode<synchronous>, transform_indices = @transform_3, window_bounds = array<i64: 148, 128>}, {pipeline_mode = #tpu.pipeline_mode<synchronous>, transform_indices = @transform_4, window_bounds = array<i64: 1, 128>}, {pipeline_mode = #tpu.pipeline_mode<synchronous>, transform_indices = @transform_5, window_bounds = array<i64: 128, 64>}, {pipeline_mode = #tpu.pipeline_mode<synchronous>, transform_indices = @transform_6, window_bounds = array<i64: 1, 64>}, {transform_indices = @transform_7, window_bounds = array<i64: 1, 256, 64>}]} {
    %get3A = arith.constant 0 : index
    %get3A_0 = arith.constant 0 : index
    %get3A_1 = arith.constant 0 : index
    %get3A_2 = vector.load %arg3[%get3A, %get3A_0, %get3A_1] : memref<1x256x64xf32, #tpu.memory_space<vmem>>, vector<1x256x64xf32>
    %get3A_3 = vector.shape_cast %get3A_2 : vector<1x256x64xf32> to vector<256x64xf32>
    %get3A_4 = arith.constant 0 : index
    %get3A_5 = arith.constant 0 : index
    %get3A_6 = arith.constant 0 : index
    %get3A_7 = vector.load %arg4[%get3A_4, %get3A_5, %get3A_6] : memref<1x1x10xf32, #tpu.memory_space<vmem>>, vector<1x1x10xf32>
    %get3A_8 = vector.shape_cast %get3A_7 : vector<1x1x10xf32> to vector<1x10xf32>
    %get3A_9 = arith.constant 0 : index
    %get3A_10 = arith.constant 0 : index
    %get3A_11 = arith.constant 0 : index
    %get3A_12 = arith.constant 0 : index
    %get3A_13 = vector.load %arg2[%get3A_9, %get3A_10, %get3A_11, %get3A_12] : memref<1x1x256x64xf32, #tpu.memory_space<vmem>>, vector<1x1x256x64xf32>
    %get3A_14 = vector.shape_cast %get3A_13 : vector<1x1x256x64xf32> to vector<256x64xf32>
    %sub3A = arith.subf %get3A_14, %get3A_3 : vector<256x64xf32>
    %broadcast_in_dim3A = vector.shape_cast %get3A_8 : vector<1x10xf32> to vector<1x10xf32>
    %broadcast_in_dim3A_15 = vector.broadcast %broadcast_in_dim3A : vector<1x10xf32> to vector<256x10xf32>
    %broadcast_in_dim3A_16 = arith.constant 0.000000e+00 : f32
    %broadcast_in_dim3A_17 = vector.broadcast %broadcast_in_dim3A_16 : f32 to vector<256x10xf32>
    %concatenate3A = tpu.concatenate %get3A_3, %broadcast_in_dim3A_15, %sub3A, %broadcast_in_dim3A_17 in 1 : vector<256x64xf32>, vector<256x10xf32>, vector<256x64xf32>, vector<256x10xf32> -> vector<256x148xf32>
    %get3A_18 = arith.constant 0 : index
    %get3A_19 = arith.constant 0 : index
    %get3A_20 = vector.load %arg5[%get3A_18, %get3A_19] : memref<148x128xf32, #tpu.memory_space<vmem>>, vector<148x128xf32>
    %dot_general3A = arith.constant dense<0.000000e+00> : vector<256x128xf32>
    %dot_general3A_21 = tpu.matmul %concatenate3A, %get3A_20, %dot_general3A {dimension_numbers = #tpu.dot_dimension_numbers<[1], [0], [0], [1], [0, 0, 1, 1], [], []>, transpose_lhs_hint = false} : vector<256x148xf32>, vector<148x128xf32>, vector<256x128xf32> -> vector<256x128xf32>
    %get3A_22 = arith.constant 0 : index
    %get3A_23 = arith.constant 0 : index
    %get3A_24 = vector.load %arg6[%get3A_22, %get3A_23] : memref<1x128xf32, #tpu.memory_space<vmem>>, vector<1x128xf32>
    %add3A = vector.broadcast %get3A_24 : vector<1x128xf32> to vector<256x128xf32>
    %add3A_25 = arith.addf %dot_general3A_21, %add3A : vector<256x128xf32>
    %gt3A = arith.constant 0.000000e+00 : f32
    %gt3A_26 = vector.broadcast %gt3A : f32 to vector<256x128xf32>
    %gt3A_27 = arith.cmpf ogt, %add3A_25, %gt3A_26 : vector<256x128xf32>
    %exp3A = math.exp %add3A_25 : vector<256x128xf32>
    %sub3A_28 = arith.constant 1.000000e+00 : f32
    %sub3A_29 = vector.broadcast %sub3A_28 : f32 to vector<256x128xf32>
    %sub3A_30 = arith.subf %exp3A, %sub3A_29 : vector<256x128xf32>
    %select_n3A = arith.select %gt3A_27, %add3A_25, %sub3A_30 : vector<256x128xi1>, vector<256x128xf32>
    %get3A_31 = arith.constant 0 : index
    %get3A_32 = arith.constant 0 : index
    %get3A_33 = vector.load %arg7[%get3A_31, %get3A_32] : memref<128x64xf32, #tpu.memory_space<vmem>>, vector<128x64xf32>
    %dot_general3A_34 = arith.constant dense<0.000000e+00> : vector<256x64xf32>
    %dot_general3A_35 = tpu.matmul %select_n3A, %get3A_33, %dot_general3A_34 {dimension_numbers = #tpu.dot_dimension_numbers<[1], [0], [0], [1], [0, 0, 1, 1], [], []>, transpose_lhs_hint = false} : vector<256x128xf32>, vector<128x64xf32>, vector<256x64xf32> -> vector<256x64xf32>
    %eq3A = arith.constant 0 : i32
    %eq3A_36 = arith.cmpi eq, %arg1, %eq3A : i32
    %convert_element_type3A = arith.extui %eq3A_36 : i1 to i32
    %cond3A = arith.constant 0 : i32
    %cond3A_37 = arith.cmpi ne, %convert_element_type3A, %cond3A : i32
    scf.if %cond3A_37 {
      %swap3A = arith.constant 0 : index
      %swap3A_48 = arith.constant 0 : index
      %swap3A_49 = arith.constant 0 : index
      %swap3A_50 = vector.load %arg9[%swap3A, %swap3A_48, %swap3A_49] : memref<1x256x64xf32, #tpu.memory_space<vmem>>, vector<1x256x64xf32>
      %swap3A_51 = vector.shape_cast %swap3A_50 : vector<1x256x64xf32> to vector<256x64xf32>
      %swap3A_52 = vector.shape_cast %dot_general3A_35 : vector<256x64xf32> to vector<1x256x64xf32>
      tpu.vector_store %arg9[%swap3A, %swap3A_48, %swap3A_49], %swap3A_52 {strides = array<i32>} : memref<1x256x64xf32, #tpu.memory_space<vmem>>, vector<1x256x64xf32>,
    } else {
    }
    %gt3A_38 = arith.constant 0 : i32
    %gt3A_39 = arith.cmpi sgt, %arg1, %gt3A_38 : i32
    %convert_element_type3A_40 = arith.extui %gt3A_39 : i1 to i32
    %cond3A_41 = arith.constant 0 : i32
    %cond3A_42 = arith.cmpi ne, %convert_element_type3A_40, %cond3A_41 : i32
    scf.if %cond3A_42 {
      %get3A_48 = arith.constant 0 : index
      %get3A_49 = arith.constant 0 : index
      %get3A_50 = arith.constant 0 : index
      %get3A_51 = vector.load %arg9[%get3A_48, %get3A_49, %get3A_50] : memref<1x256x64xf32, #tpu.memory_space<vmem>>, vector<1x256x64xf32>
      %get3A_52 = vector.shape_cast %get3A_51 : vector<1x256x64xf32> to vector<256x64xf32>
      %max3A = arith.maximumf %get3A_52, %dot_general3A_35 : vector<256x64xf32>
      %swap3A = arith.constant 0 : index
      %swap3A_53 = arith.constant 0 : index
      %swap3A_54 = arith.constant 0 : index
      %swap3A_55 = vector.load %arg9[%swap3A, %swap3A_53, %swap3A_54] : memref<1x256x64xf32, #tpu.memory_space<vmem>>, vector<1x256x64xf32>
      %swap3A_56 = vector.shape_cast %swap3A_55 : vector<1x256x64xf32> to vector<256x64xf32>
      %swap3A_57 = vector.shape_cast %max3A : vector<256x64xf32> to vector<1x256x64xf32>
      tpu.vector_store %arg9[%swap3A, %swap3A_53, %swap3A_54], %swap3A_57 {strides = array<i32>} : memref<1x256x64xf32, #tpu.memory_space<vmem>>, vector<1x256x64xf32>,
    } else {
    }
    %eq3A_43 = arith.constant 19 : i32
    %eq3A_44 = arith.cmpi eq, %arg1, %eq3A_43 : i32
    %convert_element_type3A_45 = arith.extui %eq3A_44 : i1 to i32
    %cond3A_46 = arith.constant 0 : i32
    %cond3A_47 = arith.cmpi ne, %convert_element_type3A_45, %cond3A_46 : i32
    scf.if %cond3A_47 {
      %get3A_48 = arith.constant 0 : index
      %get3A_49 = arith.constant 0 : index
      %get3A_50 = arith.constant 0 : index
      %get3A_51 = vector.load %arg9[%get3A_48, %get3A_49, %get3A_50] : memref<1x256x64xf32, #tpu.memory_space<vmem>>, vector<1x256x64xf32>
      %get3A_52 = vector.shape_cast %get3A_51 : vector<1x256x64xf32> to vector<256x64xf32>
      %get3A_53 = arith.constant 0 : index
      %get3A_54 = arith.constant 0 : index
      %get3A_55 = vector.load %arg8[%get3A_53, %get3A_54] : memref<1x64xf32, #tpu.memory_space<vmem>>, vector<1x64xf32>
      %add3A_56 = vector.broadcast %get3A_55 : vector<1x64xf32> to vector<256x64xf32>
      %add3A_57 = arith.addf %get3A_52, %add3A_56 : vector<256x64xf32>
      %gt3A_58 = arith.constant 0.000000e+00 : f32
      %gt3A_59 = vector.broadcast %gt3A_58 : f32 to vector<256x64xf32>
      %gt3A_60 = arith.cmpf ogt, %add3A_57, %gt3A_59 : vector<256x64xf32>
      %exp3A_61 = math.exp %add3A_57 : vector<256x64xf32>
      %sub3A_62 = arith.constant 1.000000e+00 : f32
      %sub3A_63 = vector.broadcast %sub3A_62 : f32 to vector<256x64xf32>
      %sub3A_64 = arith.subf %exp3A_61, %sub3A_63 : vector<256x64xf32>
      %select_n3A_65 = arith.select %gt3A_60, %add3A_57, %sub3A_64 : vector<256x64xi1>, vector<256x64xf32>
      %swap3A = arith.constant 0 : index
      %swap3A_66 = arith.constant 0 : index
      %swap3A_67 = arith.constant 0 : index
      %swap3A_68 = vector.load %arg9[%swap3A, %swap3A_66, %swap3A_67] : memref<1x256x64xf32, #tpu.memory_space<vmem>>, vector<1x256x64xf32>
      %swap3A_69 = vector.shape_cast %swap3A_68 : vector<1x256x64xf32> to vector<256x64xf32>
      %swap3A_70 = vector.shape_cast %select_n3A_65 : vector<256x64xf32> to vector<1x256x64xf32>
      tpu.vector_store %arg9[%swap3A, %swap3A_66, %swap3A_67], %swap3A_70 {strides = array<i32>} : memref<1x256x64xf32, #tpu.memory_space<vmem>>, vector<1x256x64xf32>,
    } else {
    }
    return
  }
  func.func @transform_0(%arg0: i32, %arg1: i32) -> (i32, i32, i32, i32) {
    %c0_i32 = arith.constant 0 : i32
    %c0_i32_0 = arith.constant 0 : i32
    %c0_i32_1 = arith.constant 0 : i32
    return %arg0, %arg1, %c0_i32, %c0_i32_0 : i32, i32, i32, i32
  }
  func.func @transform_1(%arg0: i32, %arg1: i32) -> (i32, i32, i32) {
    %c0_i32 = arith.constant 0 : i32
    %c0_i32_0 = arith.constant 0 : i32
    %c0_i32_1 = arith.constant 0 : i32
    return %arg0, %c0_i32, %c0_i32_0 : i32, i32, i32
  }
  func.func @transform_2(%arg0: i32, %arg1: i32) -> (i32, i32, i32) {
    %c0_i32 = arith.constant 0 : i32
    %c0_i32_0 = arith.constant 0 : i32
    %c0_i32_1 = arith.constant 0 : i32
    return %arg0, %c0_i32, %c0_i32_0 : i32, i32, i32
  }
  func.func @transform_3(%arg0: i32, %arg1: i32) -> (i32, i32) {
    %c0_i32 = arith.constant 0 : i32
    %c0_i32_0 = arith.constant 0 : i32
    %c0_i32_1 = arith.constant 0 : i32
    return %c0_i32, %c0_i32_0 : i32, i32
  }
  func.func @transform_4(%arg0: i32, %arg1: i32) -> (i32, i32) {
    %c0_i32 = arith.constant 0 : i32
    %c0_i32_0 = arith.constant 0 : i32
    %c0_i32_1 = arith.constant 0 : i32
    return %c0_i32, %c0_i32_0 : i32, i32
  }
  func.func @transform_5(%arg0: i32, %arg1: i32) -> (i32, i32) {
    %c0_i32 = arith.constant 0 : i32
    %c0_i32_0 = arith.constant 0 : i32
    %c0_i32_1 = arith.constant 0 : i32
    return %c0_i32, %c0_i32_0 : i32, i32
  }
  func.func @transform_6(%arg0: i32, %arg1: i32) -> (i32, i32) {
    %c0_i32 = arith.constant 0 : i32
    %c0_i32_0 = arith.constant 0 : i32
    %c0_i32_1 = arith.constant 0 : i32
    return %c0_i32, %c0_i32_0 : i32, i32
  }
  func.func @transform_7(%arg0: i32, %arg1: i32) -> (i32, i32, i32) {
    %c0_i32 = arith.constant 0 : i32
    %c0_i32_0 = arith.constant 0 : i32
    %c0_i32_1 = arith.constant 0 : i32
    return %arg0, %c0_i32, %c0_i32_0 : i32, i32, i32
  }
}

module attributes {stable_mosaic.version = 14 : i64} {
  func.func @_pre_body(%arg0: i32, %arg1: i32, %arg2: memref<1x256x64xf32, #tpu.memory_space<vmem>>, %arg3: memref<1x512x64xf32, #tpu.memory_space<vmem>>, %arg4: memref<1x1x10xf32, #tpu.memory_space<vmem>>, %arg5: memref<1x32x256xi32, #tpu.memory_space<vmem>>) attributes {dimension_semantics = [#tpu.dimension_semantics<parallel>, #tpu.dimension_semantics<parallel>], iteration_bounds = array<i64: 8, 2>, scalar_prefetch = 0 : i64, scratch_operands = 0 : i64, tpu.core_type = #tpu.core_type<tc>, window_params = [{transform_indices = @transform_0, window_bounds = array<i64: 1, 256, 64>}, {transform_indices = @transform_1, window_bounds = array<i64: 1, 512, 64>}, {transform_indices = @transform_2, window_bounds = array<i64: 1, 1, 10>}, {transform_indices = @transform_3, window_bounds = array<i64: 1, 32, 256>}]} {
    %get3A = arith.constant 0 : index
    %get3A_0 = arith.constant 0 : index
    %get3A_1 = arith.constant 0 : index
    %get3A_2 = vector.load %arg2[%get3A, %get3A_0, %get3A_1] : memref<1x256x64xf32, #tpu.memory_space<vmem>>, vector<1x256x64xf32>
    %get3A_3 = vector.shape_cast %get3A_2 : vector<1x256x64xf32> to vector<256x64xf32>
    %get3A_4 = arith.constant 0 : index
    %get3A_5 = arith.constant 0 : index
    %get3A_6 = arith.constant 0 : index
    %get3A_7 = vector.load %arg3[%get3A_4, %get3A_5, %get3A_6] : memref<1x512x64xf32, #tpu.memory_space<vmem>>, vector<1x512x64xf32>
    %get3A_8 = vector.shape_cast %get3A_7 : vector<1x512x64xf32> to vector<512x64xf32>
    %get3A_9 = arith.constant 0 : index
    %get3A_10 = arith.constant 0 : index
    %get3A_11 = arith.constant 0 : index
    %get3A_12 = vector.load %arg4[%get3A_9, %get3A_10, %get3A_11] : memref<1x1x10xf32, #tpu.memory_space<vmem>>, vector<1x1x10xf32>
    %get3A_13 = vector.shape_cast %get3A_12 : vector<1x1x10xf32> to vector<1x10xf32>
    %broadcast_in_dim3A = vector.shape_cast %get3A_13 : vector<1x10xf32> to vector<1x10xf32>
    %broadcast_in_dim3A_14 = vector.broadcast %broadcast_in_dim3A : vector<1x10xf32> to vector<256x10xf32>
    %concatenate3A = tpu.concatenate %get3A_3, %broadcast_in_dim3A_14 in 1 : vector<256x64xf32>, vector<256x10xf32> -> vector<256x74xf32>
    %broadcast_in_dim3A_15 = vector.shape_cast %get3A_13 : vector<1x10xf32> to vector<1x10xf32>
    %broadcast_in_dim3A_16 = vector.broadcast %broadcast_in_dim3A_15 : vector<1x10xf32> to vector<512x10xf32>
    %concatenate3A_17 = tpu.concatenate %get3A_8, %broadcast_in_dim3A_16 in 1 : vector<512x64xf32>, vector<512x10xf32> -> vector<512x74xf32>
    %mul3A = arith.mulf %concatenate3A, %concatenate3A : vector<256x74xf32>
    %reduce_sum3A = arith.constant dense<0.000000e+00> : vector<256xf32>
    %reduce_sum3A_18 = vector.multi_reduction <add>, %mul3A, %reduce_sum3A [1] : vector<256x74xf32> to vector<256xf32>
    %mul3A_19 = arith.mulf %concatenate3A_17, %concatenate3A_17 : vector<512x74xf32>
    %reduce_sum3A_20 = arith.constant dense<0.000000e+00> : vector<512xf32>
    %reduce_sum3A_21 = vector.multi_reduction <add>, %mul3A_19, %reduce_sum3A_20 [1] : vector<512x74xf32> to vector<512xf32>
    %broadcast_in_dim3A_22 = vector.shape_cast %reduce_sum3A_18 : vector<256xf32> to vector<256x1xf32>
    %broadcast_in_dim3A_23 = vector.shape_cast %reduce_sum3A_21 : vector<512xf32> to vector<1x512xf32>
    %add3A = vector.broadcast %broadcast_in_dim3A_22 : vector<256x1xf32> to vector<256x512xf32>
    %add3A_24 = vector.broadcast %broadcast_in_dim3A_23 : vector<1x512xf32> to vector<256x512xf32>
    %add3A_25 = arith.addf %add3A, %add3A_24 : vector<256x512xf32>
    %dot_general3A = arith.constant dense<0.000000e+00> : vector<256x512xf32>
    %dot_general3A_26 = tpu.matmul %concatenate3A, %concatenate3A_17, %dot_general3A {dimension_numbers = #tpu.dot_dimension_numbers<[1], [1], [0], [0], [0, 0, 1, 0], [], []>, transpose_lhs_hint = false} : vector<256x74xf32>, vector<512x74xf32>, vector<256x512xf32> -> vector<256x512xf32>
    %mul3A_27 = arith.constant 2.000000e+00 : f32
    %mul3A_28 = vector.broadcast %mul3A_27 : f32 to vector<256x512xf32>
    %mul3A_29 = arith.mulf %mul3A_28, %dot_general3A_26 : vector<256x512xf32>
    %sub3A = arith.subf %add3A_25, %mul3A_29 : vector<256x512xf32>
    %mul3A_30 = arith.constant 256 : i32
    %mul3A_31 = arith.muli %arg1, %mul3A_30 : i32
    %iota3A = tpu.iota {dimensions = array<i32: 0>} : vector<256x512xi32>
    %add3A_32 = vector.broadcast %mul3A_31 : i32 to vector<256x512xi32>
    %add3A_33 = arith.addi %add3A_32, %iota3A : vector<256x512xi32>
    %iota3A_34 = tpu.iota {dimensions = array<i32: 1>} : vector<256x512xi32>
    %eq3A = arith.cmpi eq, %add3A_33, %iota3A_34 : vector<256x512xi32>
    %add3A_35 = arith.constant 1.000000e+10 : f32
    %add3A_36 = vector.broadcast %add3A_35 : f32 to vector<256x512xf32>
    %add3A_37 = arith.addf %sub3A, %add3A_36 : vector<256x512xf32>
    %select_n3A = arith.select %eq3A, %add3A_37, %sub3A : vector<256x512xi1>, vector<256x512xf32>
    %scan3A = arith.constant 0 : i32
    %scan3A_38 = arith.constant 20 : i32
    %scan3A_39 = arith.addi %scan3A, %scan3A_38 : i32
    %scan3A_40 = arith.constant 1 : i32
    %scan3A_41 = scf.for %scan3A_43 = %scan3A to %scan3A_39 step %scan3A_40 iter_args(%scan3A_44 = %select_n3A) -> (vector<256x512xf32>)  : i32 {
      %reduce_min3A = arith.constant dense<0x7F800000> : vector<256xf32>
      %reduce_min3A_45 = vector.multi_reduction <minimumf>, %scan3A_44, %reduce_min3A [1] : vector<256x512xf32> to vector<256xf32>
      %broadcast_in_dim3A_46 = vector.shape_cast %reduce_min3A_45 : vector<256xf32> to vector<256x1xf32>
      %eq3A_47 = vector.broadcast %broadcast_in_dim3A_46 : vector<256x1xf32> to vector<256x512xf32>
      %eq3A_48 = arith.cmpf oeq, %scan3A_44, %eq3A_47 : vector<256x512xf32>
      %jit3A = arith.constant 512 : i32
      %broadcast_in_dim3A_49 = vector.broadcast %jit3A : i32 to vector<256x512xi32>
      %select_n3A_50 = arith.select %eq3A_48, %iota3A_34, %broadcast_in_dim3A_49 : vector<256x512xi1>, vector<256x512xi32>
      %reduce_min3A_51 = arith.constant dense<2147483647> : vector<256xi32>
      %reduce_min3A_52 = vector.multi_reduction <minsi>, %select_n3A_50, %reduce_min3A_51 [1] : vector<256x512xi32> to vector<256xi32>
      %mul3A_53 = arith.constant 512 : i32
      %mul3A_54 = arith.muli %arg0, %mul3A_53 : i32
      %add3A_55 = vector.broadcast %mul3A_54 : i32 to vector<256xi32>
      %add3A_56 = arith.addi %reduce_min3A_52, %add3A_55 : vector<256xi32>
      %broadcast_in_dim3A_57 = vector.shape_cast %add3A_56 : vector<256xi32> to vector<1x256xi32>
      %swap3A = arith.constant 0 : index
      %swap3A_58 = arith.index_cast %scan3A_43 : i32 to index
      %swap3A_59 = arith.constant 0 : index
      %swap3A_60 = vector.load %arg5[%swap3A, %swap3A_58, %swap3A_59] : memref<1x32x256xi32, #tpu.memory_space<vmem>>, vector<1x1x256xi32>
      %swap3A_61 = vector.shape_cast %swap3A_60 : vector<1x1x256xi32> to vector<1x256xi32>
      %swap3A_62 = vector.shape_cast %broadcast_in_dim3A_57 : vector<1x256xi32> to vector<1x1x256xi32>
      tpu.vector_store %arg5[%swap3A, %swap3A_58, %swap3A_59], %swap3A_62 {strides = array<i32>} : memref<1x32x256xi32, #tpu.memory_space<vmem>>, vector<1x1x256xi32>,
      %broadcast_in_dim3A_63 = vector.shape_cast %reduce_min3A_52 : vector<256xi32> to vector<256x1xi32>
      %eq3A_64 = vector.broadcast %broadcast_in_dim3A_63 : vector<256x1xi32> to vector<256x512xi32>
      %eq3A_65 = arith.cmpi eq, %iota3A_34, %eq3A_64 : vector<256x512xi32>
      %jit3A_66 = arith.constant 0x7F800000 : f32
      %broadcast_in_dim3A_67 = vector.broadcast %jit3A_66 : f32 to vector<256x512xf32>
      %select_n3A_68 = arith.select %eq3A_65, %broadcast_in_dim3A_67, %scan3A_44 : vector<256x512xi1>, vector<256x512xf32>
      scf.yield %select_n3A_68 : vector<256x512xf32>
    }
    %scan3A_42 = arith.constant 20 : i32
    return
  }
  func.func @transform_0(%arg0: i32, %arg1: i32) -> (i32, i32, i32) {
    %c0_i32 = arith.constant 0 : i32
    %c0_i32_0 = arith.constant 0 : i32
    return %arg0, %arg1, %c0_i32 : i32, i32, i32
  }
  func.func @transform_1(%arg0: i32, %arg1: i32) -> (i32, i32, i32) {
    %c0_i32 = arith.constant 0 : i32
    %c0_i32_0 = arith.constant 0 : i32
    %c0_i32_1 = arith.constant 0 : i32
    return %arg0, %c0_i32, %c0_i32_0 : i32, i32, i32
  }
  func.func @transform_2(%arg0: i32, %arg1: i32) -> (i32, i32, i32) {
    %c0_i32 = arith.constant 0 : i32
    %c0_i32_0 = arith.constant 0 : i32
    %c0_i32_1 = arith.constant 0 : i32
    return %arg0, %c0_i32, %c0_i32_0 : i32, i32, i32
  }
  func.func @transform_3(%arg0: i32, %arg1: i32) -> (i32, i32, i32) {
    %c0_i32 = arith.constant 0 : i32
    %c0_i32_0 = arith.constant 0 : i32
    return %arg0, %c0_i32, %arg1 : i32, i32, i32
  }
}

module attributes {stable_mosaic.version = 14 : i64} {
  func.func @_post_body(%arg0: i32, %arg1: i32, %arg2: memref<1x1x512x64xf32, #tpu.memory_space<vmem>>, %arg3: memref<1x512x64xf32, #tpu.memory_space<vmem>>, %arg4: memref<1x1x10xf32, #tpu.memory_space<vmem>>, %arg5: memref<148x128xf32, #tpu.memory_space<vmem>>, %arg6: memref<1x128xf32, #tpu.memory_space<vmem>>, %arg7: memref<128x64xf32, #tpu.memory_space<vmem>>, %arg8: memref<1x64xf32, #tpu.memory_space<vmem>>, %arg9: memref<1x512x64xf32, #tpu.memory_space<vmem>>) attributes {dimension_semantics = [#tpu.dimension_semantics<parallel>, #tpu.dimension_semantics<arbitrary>], iteration_bounds = array<i64: 8, 20>, scalar_prefetch = 0 : i64, scratch_operands = 0 : i64, tpu.core_type = #tpu.core_type<tc>, window_params = [{transform_indices = @transform_0, window_bounds = array<i64: 1, 1, 512, 64>}, {transform_indices = @transform_1, window_bounds = array<i64: 1, 512, 64>}, {transform_indices = @transform_2, window_bounds = array<i64: 1, 1, 10>}, {pipeline_mode = #tpu.pipeline_mode<synchronous>, transform_indices = @transform_3, window_bounds = array<i64: 148, 128>}, {pipeline_mode = #tpu.pipeline_mode<synchronous>, transform_indices = @transform_4, window_bounds = array<i64: 1, 128>}, {pipeline_mode = #tpu.pipeline_mode<synchronous>, transform_indices = @transform_5, window_bounds = array<i64: 128, 64>}, {pipeline_mode = #tpu.pipeline_mode<synchronous>, transform_indices = @transform_6, window_bounds = array<i64: 1, 64>}, {transform_indices = @transform_7, window_bounds = array<i64: 1, 512, 64>}]} {
    %get3A = arith.constant 0 : index
    %get3A_0 = arith.constant 0 : index
    %get3A_1 = arith.constant 0 : index
    %get3A_2 = vector.load %arg3[%get3A, %get3A_0, %get3A_1] : memref<1x512x64xf32, #tpu.memory_space<vmem>>, vector<1x512x64xf32>
    %get3A_3 = vector.shape_cast %get3A_2 : vector<1x512x64xf32> to vector<512x64xf32>
    %get3A_4 = arith.constant 0 : index
    %get3A_5 = arith.constant 0 : index
    %get3A_6 = arith.constant 0 : index
    %get3A_7 = vector.load %arg4[%get3A_4, %get3A_5, %get3A_6] : memref<1x1x10xf32, #tpu.memory_space<vmem>>, vector<1x1x10xf32>
    %get3A_8 = vector.shape_cast %get3A_7 : vector<1x1x10xf32> to vector<1x10xf32>
    %get3A_9 = arith.constant 0 : index
    %get3A_10 = arith.constant 0 : index
    %get3A_11 = arith.constant 0 : index
    %get3A_12 = arith.constant 0 : index
    %get3A_13 = vector.load %arg2[%get3A_9, %get3A_10, %get3A_11, %get3A_12] : memref<1x1x512x64xf32, #tpu.memory_space<vmem>>, vector<1x1x512x64xf32>
    %get3A_14 = vector.shape_cast %get3A_13 : vector<1x1x512x64xf32> to vector<512x64xf32>
    %sub3A = arith.subf %get3A_14, %get3A_3 : vector<512x64xf32>
    %broadcast_in_dim3A = vector.shape_cast %get3A_8 : vector<1x10xf32> to vector<1x10xf32>
    %broadcast_in_dim3A_15 = vector.broadcast %broadcast_in_dim3A : vector<1x10xf32> to vector<512x10xf32>
    %broadcast_in_dim3A_16 = arith.constant 0.000000e+00 : f32
    %broadcast_in_dim3A_17 = vector.broadcast %broadcast_in_dim3A_16 : f32 to vector<512x10xf32>
    %concatenate3A = tpu.concatenate %get3A_3, %broadcast_in_dim3A_15, %sub3A, %broadcast_in_dim3A_17 in 1 : vector<512x64xf32>, vector<512x10xf32>, vector<512x64xf32>, vector<512x10xf32> -> vector<512x148xf32>
    %get3A_18 = arith.constant 0 : index
    %get3A_19 = arith.constant 0 : index
    %get3A_20 = vector.load %arg5[%get3A_18, %get3A_19] : memref<148x128xf32, #tpu.memory_space<vmem>>, vector<148x128xf32>
    %dot_general3A = arith.constant dense<0.000000e+00> : vector<512x128xf32>
    %dot_general3A_21 = tpu.matmul %concatenate3A, %get3A_20, %dot_general3A {dimension_numbers = #tpu.dot_dimension_numbers<[1], [0], [0], [1], [0, 0, 1, 1], [], []>, transpose_lhs_hint = false} : vector<512x148xf32>, vector<148x128xf32>, vector<512x128xf32> -> vector<512x128xf32>
    %get3A_22 = arith.constant 0 : index
    %get3A_23 = arith.constant 0 : index
    %get3A_24 = vector.load %arg6[%get3A_22, %get3A_23] : memref<1x128xf32, #tpu.memory_space<vmem>>, vector<1x128xf32>
    %add3A = vector.broadcast %get3A_24 : vector<1x128xf32> to vector<512x128xf32>
    %add3A_25 = arith.addf %dot_general3A_21, %add3A : vector<512x128xf32>
    %gt3A = arith.constant 0.000000e+00 : f32
    %gt3A_26 = vector.broadcast %gt3A : f32 to vector<512x128xf32>
    %gt3A_27 = arith.cmpf ogt, %add3A_25, %gt3A_26 : vector<512x128xf32>
    %exp3A = math.exp %add3A_25 : vector<512x128xf32>
    %sub3A_28 = arith.constant 1.000000e+00 : f32
    %sub3A_29 = vector.broadcast %sub3A_28 : f32 to vector<512x128xf32>
    %sub3A_30 = arith.subf %exp3A, %sub3A_29 : vector<512x128xf32>
    %select_n3A = arith.select %gt3A_27, %add3A_25, %sub3A_30 : vector<512x128xi1>, vector<512x128xf32>
    %get3A_31 = arith.constant 0 : index
    %get3A_32 = arith.constant 0 : index
    %get3A_33 = vector.load %arg7[%get3A_31, %get3A_32] : memref<128x64xf32, #tpu.memory_space<vmem>>, vector<128x64xf32>
    %dot_general3A_34 = arith.constant dense<0.000000e+00> : vector<512x64xf32>
    %dot_general3A_35 = tpu.matmul %select_n3A, %get3A_33, %dot_general3A_34 {dimension_numbers = #tpu.dot_dimension_numbers<[1], [0], [0], [1], [0, 0, 1, 1], [], []>, transpose_lhs_hint = false} : vector<512x128xf32>, vector<128x64xf32>, vector<512x64xf32> -> vector<512x64xf32>
    %eq3A = arith.constant 0 : i32
    %eq3A_36 = arith.cmpi eq, %arg1, %eq3A : i32
    %convert_element_type3A = arith.extui %eq3A_36 : i1 to i32
    %cond3A = arith.constant 0 : i32
    %cond3A_37 = arith.cmpi ne, %convert_element_type3A, %cond3A : i32
    scf.if %cond3A_37 {
      %swap3A = arith.constant 0 : index
      %swap3A_48 = arith.constant 0 : index
      %swap3A_49 = arith.constant 0 : index
      %swap3A_50 = vector.load %arg9[%swap3A, %swap3A_48, %swap3A_49] : memref<1x512x64xf32, #tpu.memory_space<vmem>>, vector<1x512x64xf32>
      %swap3A_51 = vector.shape_cast %swap3A_50 : vector<1x512x64xf32> to vector<512x64xf32>
      %swap3A_52 = vector.shape_cast %dot_general3A_35 : vector<512x64xf32> to vector<1x512x64xf32>
      tpu.vector_store %arg9[%swap3A, %swap3A_48, %swap3A_49], %swap3A_52 {strides = array<i32>} : memref<1x512x64xf32, #tpu.memory_space<vmem>>, vector<1x512x64xf32>,
    } else {
    }
    %gt3A_38 = arith.constant 0 : i32
    %gt3A_39 = arith.cmpi sgt, %arg1, %gt3A_38 : i32
    %convert_element_type3A_40 = arith.extui %gt3A_39 : i1 to i32
    %cond3A_41 = arith.constant 0 : i32
    %cond3A_42 = arith.cmpi ne, %convert_element_type3A_40, %cond3A_41 : i32
    scf.if %cond3A_42 {
      %get3A_48 = arith.constant 0 : index
      %get3A_49 = arith.constant 0 : index
      %get3A_50 = arith.constant 0 : index
      %get3A_51 = vector.load %arg9[%get3A_48, %get3A_49, %get3A_50] : memref<1x512x64xf32, #tpu.memory_space<vmem>>, vector<1x512x64xf32>
      %get3A_52 = vector.shape_cast %get3A_51 : vector<1x512x64xf32> to vector<512x64xf32>
      %max3A = arith.maximumf %get3A_52, %dot_general3A_35 : vector<512x64xf32>
      %swap3A = arith.constant 0 : index
      %swap3A_53 = arith.constant 0 : index
      %swap3A_54 = arith.constant 0 : index
      %swap3A_55 = vector.load %arg9[%swap3A, %swap3A_53, %swap3A_54] : memref<1x512x64xf32, #tpu.memory_space<vmem>>, vector<1x512x64xf32>
      %swap3A_56 = vector.shape_cast %swap3A_55 : vector<1x512x64xf32> to vector<512x64xf32>
      %swap3A_57 = vector.shape_cast %max3A : vector<512x64xf32> to vector<1x512x64xf32>
      tpu.vector_store %arg9[%swap3A, %swap3A_53, %swap3A_54], %swap3A_57 {strides = array<i32>} : memref<1x512x64xf32, #tpu.memory_space<vmem>>, vector<1x512x64xf32>,
    } else {
    }
    %eq3A_43 = arith.constant 19 : i32
    %eq3A_44 = arith.cmpi eq, %arg1, %eq3A_43 : i32
    %convert_element_type3A_45 = arith.extui %eq3A_44 : i1 to i32
    %cond3A_46 = arith.constant 0 : i32
    %cond3A_47 = arith.cmpi ne, %convert_element_type3A_45, %cond3A_46 : i32
    scf.if %cond3A_47 {
      %get3A_48 = arith.constant 0 : index
      %get3A_49 = arith.constant 0 : index
      %get3A_50 = arith.constant 0 : index
      %get3A_51 = vector.load %arg9[%get3A_48, %get3A_49, %get3A_50] : memref<1x512x64xf32, #tpu.memory_space<vmem>>, vector<1x512x64xf32>
      %get3A_52 = vector.shape_cast %get3A_51 : vector<1x512x64xf32> to vector<512x64xf32>
      %get3A_53 = arith.constant 0 : index
      %get3A_54 = arith.constant 0 : index
      %get3A_55 = vector.load %arg8[%get3A_53, %get3A_54] : memref<1x64xf32, #tpu.memory_space<vmem>>, vector<1x64xf32>
      %add3A_56 = vector.broadcast %get3A_55 : vector<1x64xf32> to vector<512x64xf32>
      %add3A_57 = arith.addf %get3A_52, %add3A_56 : vector<512x64xf32>
      %gt3A_58 = arith.constant 0.000000e+00 : f32
      %gt3A_59 = vector.broadcast %gt3A_58 : f32 to vector<512x64xf32>
      %gt3A_60 = arith.cmpf ogt, %add3A_57, %gt3A_59 : vector<512x64xf32>
      %exp3A_61 = math.exp %add3A_57 : vector<512x64xf32>
      %sub3A_62 = arith.constant 1.000000e+00 : f32
      %sub3A_63 = vector.broadcast %sub3A_62 : f32 to vector<512x64xf32>
      %sub3A_64 = arith.subf %exp3A_61, %sub3A_63 : vector<512x64xf32>
      %select_n3A_65 = arith.select %gt3A_60, %add3A_57, %sub3A_64 : vector<512x64xi1>, vector<512x64xf32>
      %swap3A = arith.constant 0 : index
      %swap3A_66 = arith.constant 0 : index
      %swap3A_67 = arith.constant 0 : index
      %swap3A_68 = vector.load %arg9[%swap3A, %swap3A_66, %swap3A_67] : memref<1x512x64xf32, #tpu.memory_space<vmem>>, vector<1x512x64xf32>
      %swap3A_69 = vector.shape_cast %swap3A_68 : vector<1x512x64xf32> to vector<512x64xf32>
      %swap3A_70 = vector.shape_cast %select_n3A_65 : vector<512x64xf32> to vector<1x512x64xf32>
      tpu.vector_store %arg9[%swap3A, %swap3A_66, %swap3A_67], %swap3A_70 {strides = array<i32>} : memref<1x512x64xf32, #tpu.memory_space<vmem>>, vector<1x512x64xf32>,
    } else {
    }
    return
  }
  func.func @transform_0(%arg0: i32, %arg1: i32) -> (i32, i32, i32, i32) {
    %c0_i32 = arith.constant 0 : i32
    %c0_i32_0 = arith.constant 0 : i32
    %c0_i32_1 = arith.constant 0 : i32
    return %arg0, %arg1, %c0_i32, %c0_i32_0 : i32, i32, i32, i32
  }
  func.func @transform_1(%arg0: i32, %arg1: i32) -> (i32, i32, i32) {
    %c0_i32 = arith.constant 0 : i32
    %c0_i32_0 = arith.constant 0 : i32
    %c0_i32_1 = arith.constant 0 : i32
    return %arg0, %c0_i32, %c0_i32_0 : i32, i32, i32
  }
  func.func @transform_2(%arg0: i32, %arg1: i32) -> (i32, i32, i32) {
    %c0_i32 = arith.constant 0 : i32
    %c0_i32_0 = arith.constant 0 : i32
    %c0_i32_1 = arith.constant 0 : i32
    return %arg0, %c0_i32, %c0_i32_0 : i32, i32, i32
  }
  func.func @transform_3(%arg0: i32, %arg1: i32) -> (i32, i32) {
    %c0_i32 = arith.constant 0 : i32
    %c0_i32_0 = arith.constant 0 : i32
    %c0_i32_1 = arith.constant 0 : i32
    return %c0_i32, %c0_i32_0 : i32, i32
  }
  func.func @transform_4(%arg0: i32, %arg1: i32) -> (i32, i32) {
    %c0_i32 = arith.constant 0 : i32
    %c0_i32_0 = arith.constant 0 : i32
    %c0_i32_1 = arith.constant 0 : i32
    return %c0_i32, %c0_i32_0 : i32, i32
  }
  func.func @transform_5(%arg0: i32, %arg1: i32) -> (i32, i32) {
    %c0_i32 = arith.constant 0 : i32
    %c0_i32_0 = arith.constant 0 : i32
    %c0_i32_1 = arith.constant 0 : i32
    return %c0_i32, %c0_i32_0 : i32, i32
  }
  func.func @transform_6(%arg0: i32, %arg1: i32) -> (i32, i32) {
    %c0_i32 = arith.constant 0 : i32
    %c0_i32_0 = arith.constant 0 : i32
    %c0_i32_1 = arith.constant 0 : i32
    return %c0_i32, %c0_i32_0 : i32, i32
  }
  func.func @transform_7(%arg0: i32, %arg1: i32) -> (i32, i32, i32) {
    %c0_i32 = arith.constant 0 : i32
    %c0_i32_0 = arith.constant 0 : i32
    %c0_i32_1 = arith.constant 0 : i32
    return %arg0, %c0_i32, %c0_i32_0 : i32, i32, i32
  }
}

module attributes {stable_mosaic.version = 14 : i64} {
  func.func @_pre_body(%arg0: i32, %arg1: i32, %arg2: memref<1x256x64xf32, #tpu.memory_space<vmem>>, %arg3: memref<1x1024x64xf32, #tpu.memory_space<vmem>>, %arg4: memref<1x1x10xf32, #tpu.memory_space<vmem>>, %arg5: memref<1x32x256xi32, #tpu.memory_space<vmem>>) attributes {dimension_semantics = [#tpu.dimension_semantics<parallel>, #tpu.dimension_semantics<parallel>], iteration_bounds = array<i64: 8, 4>, scalar_prefetch = 0 : i64, scratch_operands = 0 : i64, tpu.core_type = #tpu.core_type<tc>, window_params = [{transform_indices = @transform_0, window_bounds = array<i64: 1, 256, 64>}, {transform_indices = @transform_1, window_bounds = array<i64: 1, 1024, 64>}, {transform_indices = @transform_2, window_bounds = array<i64: 1, 1, 10>}, {transform_indices = @transform_3, window_bounds = array<i64: 1, 32, 256>}]} {
    %get3A = arith.constant 0 : index
    %get3A_0 = arith.constant 0 : index
    %get3A_1 = arith.constant 0 : index
    %get3A_2 = vector.load %arg2[%get3A, %get3A_0, %get3A_1] : memref<1x256x64xf32, #tpu.memory_space<vmem>>, vector<1x256x64xf32>
    %get3A_3 = vector.shape_cast %get3A_2 : vector<1x256x64xf32> to vector<256x64xf32>
    %get3A_4 = arith.constant 0 : index
    %get3A_5 = arith.constant 0 : index
    %get3A_6 = arith.constant 0 : index
    %get3A_7 = vector.load %arg3[%get3A_4, %get3A_5, %get3A_6] : memref<1x1024x64xf32, #tpu.memory_space<vmem>>, vector<1x1024x64xf32>
    %get3A_8 = vector.shape_cast %get3A_7 : vector<1x1024x64xf32> to vector<1024x64xf32>
    %get3A_9 = arith.constant 0 : index
    %get3A_10 = arith.constant 0 : index
    %get3A_11 = arith.constant 0 : index
    %get3A_12 = vector.load %arg4[%get3A_9, %get3A_10, %get3A_11] : memref<1x1x10xf32, #tpu.memory_space<vmem>>, vector<1x1x10xf32>
    %get3A_13 = vector.shape_cast %get3A_12 : vector<1x1x10xf32> to vector<1x10xf32>
    %broadcast_in_dim3A = vector.shape_cast %get3A_13 : vector<1x10xf32> to vector<1x10xf32>
    %broadcast_in_dim3A_14 = vector.broadcast %broadcast_in_dim3A : vector<1x10xf32> to vector<256x10xf32>
    %concatenate3A = tpu.concatenate %get3A_3, %broadcast_in_dim3A_14 in 1 : vector<256x64xf32>, vector<256x10xf32> -> vector<256x74xf32>
    %broadcast_in_dim3A_15 = vector.shape_cast %get3A_13 : vector<1x10xf32> to vector<1x10xf32>
    %broadcast_in_dim3A_16 = vector.broadcast %broadcast_in_dim3A_15 : vector<1x10xf32> to vector<1024x10xf32>
    %concatenate3A_17 = tpu.concatenate %get3A_8, %broadcast_in_dim3A_16 in 1 : vector<1024x64xf32>, vector<1024x10xf32> -> vector<1024x74xf32>
    %mul3A = arith.mulf %concatenate3A, %concatenate3A : vector<256x74xf32>
    %reduce_sum3A = arith.constant dense<0.000000e+00> : vector<256xf32>
    %reduce_sum3A_18 = vector.multi_reduction <add>, %mul3A, %reduce_sum3A [1] : vector<256x74xf32> to vector<256xf32>
    %mul3A_19 = arith.mulf %concatenate3A_17, %concatenate3A_17 : vector<1024x74xf32>
    %reduce_sum3A_20 = arith.constant dense<0.000000e+00> : vector<1024xf32>
    %reduce_sum3A_21 = vector.multi_reduction <add>, %mul3A_19, %reduce_sum3A_20 [1] : vector<1024x74xf32> to vector<1024xf32>
    %broadcast_in_dim3A_22 = vector.shape_cast %reduce_sum3A_18 : vector<256xf32> to vector<256x1xf32>
    %broadcast_in_dim3A_23 = vector.shape_cast %reduce_sum3A_21 : vector<1024xf32> to vector<1x1024xf32>
    %add3A = vector.broadcast %broadcast_in_dim3A_22 : vector<256x1xf32> to vector<256x1024xf32>
    %add3A_24 = vector.broadcast %broadcast_in_dim3A_23 : vector<1x1024xf32> to vector<256x1024xf32>
    %add3A_25 = arith.addf %add3A, %add3A_24 : vector<256x1024xf32>
    %dot_general3A = arith.constant dense<0.000000e+00> : vector<256x1024xf32>
    %dot_general3A_26 = tpu.matmul %concatenate3A, %concatenate3A_17, %dot_general3A {dimension_numbers = #tpu.dot_dimension_numbers<[1], [1], [0], [0], [0, 0, 1, 0], [], []>, transpose_lhs_hint = false} : vector<256x74xf32>, vector<1024x74xf32>, vector<256x1024xf32> -> vector<256x1024xf32>
    %mul3A_27 = arith.constant 2.000000e+00 : f32
    %mul3A_28 = vector.broadcast %mul3A_27 : f32 to vector<256x1024xf32>
    %mul3A_29 = arith.mulf %mul3A_28, %dot_general3A_26 : vector<256x1024xf32>
    %sub3A = arith.subf %add3A_25, %mul3A_29 : vector<256x1024xf32>
    %mul3A_30 = arith.constant 256 : i32
    %mul3A_31 = arith.muli %arg1, %mul3A_30 : i32
    %iota3A = tpu.iota {dimensions = array<i32: 0>} : vector<256x1024xi32>
    %add3A_32 = vector.broadcast %mul3A_31 : i32 to vector<256x1024xi32>
    %add3A_33 = arith.addi %add3A_32, %iota3A : vector<256x1024xi32>
    %iota3A_34 = tpu.iota {dimensions = array<i32: 1>} : vector<256x1024xi32>
    %eq3A = arith.cmpi eq, %add3A_33, %iota3A_34 : vector<256x1024xi32>
    %add3A_35 = arith.constant 1.000000e+10 : f32
    %add3A_36 = vector.broadcast %add3A_35 : f32 to vector<256x1024xf32>
    %add3A_37 = arith.addf %sub3A, %add3A_36 : vector<256x1024xf32>
    %select_n3A = arith.select %eq3A, %add3A_37, %sub3A : vector<256x1024xi1>, vector<256x1024xf32>
    %scan3A = arith.constant 0 : i32
    %scan3A_38 = arith.constant 20 : i32
    %scan3A_39 = arith.addi %scan3A, %scan3A_38 : i32
    %scan3A_40 = arith.constant 1 : i32
    %scan3A_41 = scf.for %scan3A_43 = %scan3A to %scan3A_39 step %scan3A_40 iter_args(%scan3A_44 = %select_n3A) -> (vector<256x1024xf32>)  : i32 {
      %reduce_min3A = arith.constant dense<0x7F800000> : vector<256xf32>
      %reduce_min3A_45 = vector.multi_reduction <minimumf>, %scan3A_44, %reduce_min3A [1] : vector<256x1024xf32> to vector<256xf32>
      %broadcast_in_dim3A_46 = vector.shape_cast %reduce_min3A_45 : vector<256xf32> to vector<256x1xf32>
      %eq3A_47 = vector.broadcast %broadcast_in_dim3A_46 : vector<256x1xf32> to vector<256x1024xf32>
      %eq3A_48 = arith.cmpf oeq, %scan3A_44, %eq3A_47 : vector<256x1024xf32>
      %jit3A = arith.constant 1024 : i32
      %broadcast_in_dim3A_49 = vector.broadcast %jit3A : i32 to vector<256x1024xi32>
      %select_n3A_50 = arith.select %eq3A_48, %iota3A_34, %broadcast_in_dim3A_49 : vector<256x1024xi1>, vector<256x1024xi32>
      %reduce_min3A_51 = arith.constant dense<2147483647> : vector<256xi32>
      %reduce_min3A_52 = vector.multi_reduction <minsi>, %select_n3A_50, %reduce_min3A_51 [1] : vector<256x1024xi32> to vector<256xi32>
      %mul3A_53 = arith.constant 1024 : i32
      %mul3A_54 = arith.muli %arg0, %mul3A_53 : i32
      %add3A_55 = vector.broadcast %mul3A_54 : i32 to vector<256xi32>
      %add3A_56 = arith.addi %reduce_min3A_52, %add3A_55 : vector<256xi32>
      %broadcast_in_dim3A_57 = vector.shape_cast %add3A_56 : vector<256xi32> to vector<1x256xi32>
      %swap3A = arith.constant 0 : index
      %swap3A_58 = arith.index_cast %scan3A_43 : i32 to index
      %swap3A_59 = arith.constant 0 : index
      %swap3A_60 = vector.load %arg5[%swap3A, %swap3A_58, %swap3A_59] : memref<1x32x256xi32, #tpu.memory_space<vmem>>, vector<1x1x256xi32>
      %swap3A_61 = vector.shape_cast %swap3A_60 : vector<1x1x256xi32> to vector<1x256xi32>
      %swap3A_62 = vector.shape_cast %broadcast_in_dim3A_57 : vector<1x256xi32> to vector<1x1x256xi32>
      tpu.vector_store %arg5[%swap3A, %swap3A_58, %swap3A_59], %swap3A_62 {strides = array<i32>} : memref<1x32x256xi32, #tpu.memory_space<vmem>>, vector<1x1x256xi32>,
      %broadcast_in_dim3A_63 = vector.shape_cast %reduce_min3A_52 : vector<256xi32> to vector<256x1xi32>
      %eq3A_64 = vector.broadcast %broadcast_in_dim3A_63 : vector<256x1xi32> to vector<256x1024xi32>
      %eq3A_65 = arith.cmpi eq, %iota3A_34, %eq3A_64 : vector<256x1024xi32>
      %jit3A_66 = arith.constant 0x7F800000 : f32
      %broadcast_in_dim3A_67 = vector.broadcast %jit3A_66 : f32 to vector<256x1024xf32>
      %select_n3A_68 = arith.select %eq3A_65, %broadcast_in_dim3A_67, %scan3A_44 : vector<256x1024xi1>, vector<256x1024xf32>
      scf.yield %select_n3A_68 : vector<256x1024xf32>
    }
    %scan3A_42 = arith.constant 20 : i32
    return
  }
  func.func @transform_0(%arg0: i32, %arg1: i32) -> (i32, i32, i32) {
    %c0_i32 = arith.constant 0 : i32
    %c0_i32_0 = arith.constant 0 : i32
    return %arg0, %arg1, %c0_i32 : i32, i32, i32
  }
  func.func @transform_1(%arg0: i32, %arg1: i32) -> (i32, i32, i32) {
    %c0_i32 = arith.constant 0 : i32
    %c0_i32_0 = arith.constant 0 : i32
    %c0_i32_1 = arith.constant 0 : i32
    return %arg0, %c0_i32, %c0_i32_0 : i32, i32, i32
  }
  func.func @transform_2(%arg0: i32, %arg1: i32) -> (i32, i32, i32) {
    %c0_i32 = arith.constant 0 : i32
    %c0_i32_0 = arith.constant 0 : i32
    %c0_i32_1 = arith.constant 0 : i32
    return %arg0, %c0_i32, %c0_i32_0 : i32, i32, i32
  }
  func.func @transform_3(%arg0: i32, %arg1: i32) -> (i32, i32, i32) {
    %c0_i32 = arith.constant 0 : i32
    %c0_i32_0 = arith.constant 0 : i32
    return %arg0, %c0_i32, %arg1 : i32, i32, i32
  }
}

module attributes {stable_mosaic.version = 14 : i64} {
  func.func @_post_body(%arg0: i32, %arg1: i32, %arg2: memref<1x1x1024x64xf32, #tpu.memory_space<vmem>>, %arg3: memref<1x1024x64xf32, #tpu.memory_space<vmem>>, %arg4: memref<1x1x10xf32, #tpu.memory_space<vmem>>, %arg5: memref<148x128xf32, #tpu.memory_space<vmem>>, %arg6: memref<1x128xf32, #tpu.memory_space<vmem>>, %arg7: memref<128x3xf32, #tpu.memory_space<vmem>>, %arg8: memref<1x3xf32, #tpu.memory_space<vmem>>, %arg9: memref<1x1024x3xf32, #tpu.memory_space<vmem>>) attributes {dimension_semantics = [#tpu.dimension_semantics<parallel>, #tpu.dimension_semantics<arbitrary>], iteration_bounds = array<i64: 8, 20>, scalar_prefetch = 0 : i64, scratch_operands = 0 : i64, tpu.core_type = #tpu.core_type<tc>, window_params = [{transform_indices = @transform_0, window_bounds = array<i64: 1, 1, 1024, 64>}, {transform_indices = @transform_1, window_bounds = array<i64: 1, 1024, 64>}, {transform_indices = @transform_2, window_bounds = array<i64: 1, 1, 10>}, {pipeline_mode = #tpu.pipeline_mode<synchronous>, transform_indices = @transform_3, window_bounds = array<i64: 148, 128>}, {pipeline_mode = #tpu.pipeline_mode<synchronous>, transform_indices = @transform_4, window_bounds = array<i64: 1, 128>}, {pipeline_mode = #tpu.pipeline_mode<synchronous>, transform_indices = @transform_5, window_bounds = array<i64: 128, 3>}, {pipeline_mode = #tpu.pipeline_mode<synchronous>, transform_indices = @transform_6, window_bounds = array<i64: 1, 3>}, {transform_indices = @transform_7, window_bounds = array<i64: 1, 1024, 3>}]} {
    %get3A = arith.constant 0 : index
    %get3A_0 = arith.constant 0 : index
    %get3A_1 = arith.constant 0 : index
    %get3A_2 = vector.load %arg3[%get3A, %get3A_0, %get3A_1] : memref<1x1024x64xf32, #tpu.memory_space<vmem>>, vector<1x1024x64xf32>
    %get3A_3 = vector.shape_cast %get3A_2 : vector<1x1024x64xf32> to vector<1024x64xf32>
    %get3A_4 = arith.constant 0 : index
    %get3A_5 = arith.constant 0 : index
    %get3A_6 = arith.constant 0 : index
    %get3A_7 = vector.load %arg4[%get3A_4, %get3A_5, %get3A_6] : memref<1x1x10xf32, #tpu.memory_space<vmem>>, vector<1x1x10xf32>
    %get3A_8 = vector.shape_cast %get3A_7 : vector<1x1x10xf32> to vector<1x10xf32>
    %get3A_9 = arith.constant 0 : index
    %get3A_10 = arith.constant 0 : index
    %get3A_11 = arith.constant 0 : index
    %get3A_12 = arith.constant 0 : index
    %get3A_13 = vector.load %arg2[%get3A_9, %get3A_10, %get3A_11, %get3A_12] : memref<1x1x1024x64xf32, #tpu.memory_space<vmem>>, vector<1x1x1024x64xf32>
    %get3A_14 = vector.shape_cast %get3A_13 : vector<1x1x1024x64xf32> to vector<1024x64xf32>
    %sub3A = arith.subf %get3A_14, %get3A_3 : vector<1024x64xf32>
    %broadcast_in_dim3A = vector.shape_cast %get3A_8 : vector<1x10xf32> to vector<1x10xf32>
    %broadcast_in_dim3A_15 = vector.broadcast %broadcast_in_dim3A : vector<1x10xf32> to vector<1024x10xf32>
    %broadcast_in_dim3A_16 = arith.constant 0.000000e+00 : f32
    %broadcast_in_dim3A_17 = vector.broadcast %broadcast_in_dim3A_16 : f32 to vector<1024x10xf32>
    %concatenate3A = tpu.concatenate %get3A_3, %broadcast_in_dim3A_15, %sub3A, %broadcast_in_dim3A_17 in 1 : vector<1024x64xf32>, vector<1024x10xf32>, vector<1024x64xf32>, vector<1024x10xf32> -> vector<1024x148xf32>
    %get3A_18 = arith.constant 0 : index
    %get3A_19 = arith.constant 0 : index
    %get3A_20 = vector.load %arg5[%get3A_18, %get3A_19] : memref<148x128xf32, #tpu.memory_space<vmem>>, vector<148x128xf32>
    %dot_general3A = arith.constant dense<0.000000e+00> : vector<1024x128xf32>
    %dot_general3A_21 = tpu.matmul %concatenate3A, %get3A_20, %dot_general3A {dimension_numbers = #tpu.dot_dimension_numbers<[1], [0], [0], [1], [0, 0, 1, 1], [], []>, transpose_lhs_hint = false} : vector<1024x148xf32>, vector<148x128xf32>, vector<1024x128xf32> -> vector<1024x128xf32>
    %get3A_22 = arith.constant 0 : index
    %get3A_23 = arith.constant 0 : index
    %get3A_24 = vector.load %arg6[%get3A_22, %get3A_23] : memref<1x128xf32, #tpu.memory_space<vmem>>, vector<1x128xf32>
    %add3A = vector.broadcast %get3A_24 : vector<1x128xf32> to vector<1024x128xf32>
    %add3A_25 = arith.addf %dot_general3A_21, %add3A : vector<1024x128xf32>
    %gt3A = arith.constant 0.000000e+00 : f32
    %gt3A_26 = vector.broadcast %gt3A : f32 to vector<1024x128xf32>
    %gt3A_27 = arith.cmpf ogt, %add3A_25, %gt3A_26 : vector<1024x128xf32>
    %exp3A = math.exp %add3A_25 : vector<1024x128xf32>
    %sub3A_28 = arith.constant 1.000000e+00 : f32
    %sub3A_29 = vector.broadcast %sub3A_28 : f32 to vector<1024x128xf32>
    %sub3A_30 = arith.subf %exp3A, %sub3A_29 : vector<1024x128xf32>
    %select_n3A = arith.select %gt3A_27, %add3A_25, %sub3A_30 : vector<1024x128xi1>, vector<1024x128xf32>
    %get3A_31 = arith.constant 0 : index
    %get3A_32 = arith.constant 0 : index
    %get3A_33 = vector.load %arg7[%get3A_31, %get3A_32] : memref<128x3xf32, #tpu.memory_space<vmem>>, vector<128x3xf32>
    %dot_general3A_34 = arith.constant dense<0.000000e+00> : vector<1024x3xf32>
    %dot_general3A_35 = tpu.matmul %select_n3A, %get3A_33, %dot_general3A_34 {dimension_numbers = #tpu.dot_dimension_numbers<[1], [0], [0], [1], [0, 0, 1, 1], [], []>, transpose_lhs_hint = false} : vector<1024x128xf32>, vector<128x3xf32>, vector<1024x3xf32> -> vector<1024x3xf32>
    %eq3A = arith.constant 0 : i32
    %eq3A_36 = arith.cmpi eq, %arg1, %eq3A : i32
    %convert_element_type3A = arith.extui %eq3A_36 : i1 to i32
    %cond3A = arith.constant 0 : i32
    %cond3A_37 = arith.cmpi ne, %convert_element_type3A, %cond3A : i32
    scf.if %cond3A_37 {
      %swap3A = arith.constant 0 : index
      %swap3A_48 = arith.constant 0 : index
      %swap3A_49 = arith.constant 0 : index
      %swap3A_50 = vector.load %arg9[%swap3A, %swap3A_48, %swap3A_49] : memref<1x1024x3xf32, #tpu.memory_space<vmem>>, vector<1x1024x3xf32>
      %swap3A_51 = vector.shape_cast %swap3A_50 : vector<1x1024x3xf32> to vector<1024x3xf32>
      %swap3A_52 = vector.shape_cast %dot_general3A_35 : vector<1024x3xf32> to vector<1x1024x3xf32>
      tpu.vector_store %arg9[%swap3A, %swap3A_48, %swap3A_49], %swap3A_52 {strides = array<i32>} : memref<1x1024x3xf32, #tpu.memory_space<vmem>>, vector<1x1024x3xf32>,
    } else {
    }
    %gt3A_38 = arith.constant 0 : i32
    %gt3A_39 = arith.cmpi sgt, %arg1, %gt3A_38 : i32
    %convert_element_type3A_40 = arith.extui %gt3A_39 : i1 to i32
    %cond3A_41 = arith.constant 0 : i32
    %cond3A_42 = arith.cmpi ne, %convert_element_type3A_40, %cond3A_41 : i32
    scf.if %cond3A_42 {
      %get3A_48 = arith.constant 0 : index
      %get3A_49 = arith.constant 0 : index
      %get3A_50 = arith.constant 0 : index
      %get3A_51 = vector.load %arg9[%get3A_48, %get3A_49, %get3A_50] : memref<1x1024x3xf32, #tpu.memory_space<vmem>>, vector<1x1024x3xf32>
      %get3A_52 = vector.shape_cast %get3A_51 : vector<1x1024x3xf32> to vector<1024x3xf32>
      %max3A = arith.maximumf %get3A_52, %dot_general3A_35 : vector<1024x3xf32>
      %swap3A = arith.constant 0 : index
      %swap3A_53 = arith.constant 0 : index
      %swap3A_54 = arith.constant 0 : index
      %swap3A_55 = vector.load %arg9[%swap3A, %swap3A_53, %swap3A_54] : memref<1x1024x3xf32, #tpu.memory_space<vmem>>, vector<1x1024x3xf32>
      %swap3A_56 = vector.shape_cast %swap3A_55 : vector<1x1024x3xf32> to vector<1024x3xf32>
      %swap3A_57 = vector.shape_cast %max3A : vector<1024x3xf32> to vector<1x1024x3xf32>
      tpu.vector_store %arg9[%swap3A, %swap3A_53, %swap3A_54], %swap3A_57 {strides = array<i32>} : memref<1x1024x3xf32, #tpu.memory_space<vmem>>, vector<1x1024x3xf32>,
    } else {
    }
    %eq3A_43 = arith.constant 19 : i32
    %eq3A_44 = arith.cmpi eq, %arg1, %eq3A_43 : i32
    %convert_element_type3A_45 = arith.extui %eq3A_44 : i1 to i32
    %cond3A_46 = arith.constant 0 : i32
    %cond3A_47 = arith.cmpi ne, %convert_element_type3A_45, %cond3A_46 : i32
    scf.if %cond3A_47 {
      %get3A_48 = arith.constant 0 : index
      %get3A_49 = arith.constant 0 : index
      %get3A_50 = arith.constant 0 : index
      %get3A_51 = vector.load %arg9[%get3A_48, %get3A_49, %get3A_50] : memref<1x1024x3xf32, #tpu.memory_space<vmem>>, vector<1x1024x3xf32>
      %get3A_52 = vector.shape_cast %get3A_51 : vector<1x1024x3xf32> to vector<1024x3xf32>
      %get3A_53 = arith.constant 0 : index
      %get3A_54 = arith.constant 0 : index
      %get3A_55 = vector.load %arg8[%get3A_53, %get3A_54] : memref<1x3xf32, #tpu.memory_space<vmem>>, vector<1x3xf32>
      %add3A_56 = vector.broadcast %get3A_55 : vector<1x3xf32> to vector<1024x3xf32>
      %add3A_57 = arith.addf %get3A_52, %add3A_56 : vector<1024x3xf32>
      %tanh3A = math.tanh %add3A_57 : vector<1024x3xf32>
      %swap3A = arith.constant 0 : index
      %swap3A_58 = arith.constant 0 : index
      %swap3A_59 = arith.constant 0 : index
      %swap3A_60 = vector.load %arg9[%swap3A, %swap3A_58, %swap3A_59] : memref<1x1024x3xf32, #tpu.memory_space<vmem>>, vector<1x1024x3xf32>
      %swap3A_61 = vector.shape_cast %swap3A_60 : vector<1x1024x3xf32> to vector<1024x3xf32>
      %swap3A_62 = vector.shape_cast %tanh3A : vector<1024x3xf32> to vector<1x1024x3xf32>
      tpu.vector_store %arg9[%swap3A, %swap3A_58, %swap3A_59], %swap3A_62 {strides = array<i32>} : memref<1x1024x3xf32, #tpu.memory_space<vmem>>, vector<1x1024x3xf32>,
    } else {
    }
    return
  }
  func.func @transform_0(%arg0: i32, %arg1: i32) -> (i32, i32, i32, i32) {
    %c0_i32 = arith.constant 0 : i32
    %c0_i32_0 = arith.constant 0 : i32
    %c0_i32_1 = arith.constant 0 : i32
    return %arg0, %arg1, %c0_i32, %c0_i32_0 : i32, i32, i32, i32
  }
  func.func @transform_1(%arg0: i32, %arg1: i32) -> (i32, i32, i32) {
    %c0_i32 = arith.constant 0 : i32
    %c0_i32_0 = arith.constant 0 : i32
    %c0_i32_1 = arith.constant 0 : i32
    return %arg0, %c0_i32, %c0_i32_0 : i32, i32, i32
  }
  func.func @transform_2(%arg0: i32, %arg1: i32) -> (i32, i32, i32) {
    %c0_i32 = arith.constant 0 : i32
    %c0_i32_0 = arith.constant 0 : i32
    %c0_i32_1 = arith.constant 0 : i32
    return %arg0, %c0_i32, %c0_i32_0 : i32, i32, i32
  }
  func.func @transform_3(%arg0: i32, %arg1: i32) -> (i32, i32) {
    %c0_i32 = arith.constant 0 : i32
    %c0_i32_0 = arith.constant 0 : i32
    %c0_i32_1 = arith.constant 0 : i32
    return %c0_i32, %c0_i32_0 : i32, i32
  }
  func.func @transform_4(%arg0: i32, %arg1: i32) -> (i32, i32) {
    %c0_i32 = arith.constant 0 : i32
    %c0_i32_0 = arith.constant 0 : i32
    %c0_i32_1 = arith.constant 0 : i32
    return %c0_i32, %c0_i32_0 : i32, i32
  }
  func.func @transform_5(%arg0: i32, %arg1: i32) -> (i32, i32) {
    %c0_i32 = arith.constant 0 : i32
    %c0_i32_0 = arith.constant 0 : i32
    %c0_i32_1 = arith.constant 0 : i32
    return %c0_i32, %c0_i32_0 : i32, i32
  }
  func.func @transform_6(%arg0: i32, %arg1: i32) -> (i32, i32) {
    %c0_i32 = arith.constant 0 : i32
    %c0_i32_0 = arith.constant 0 : i32
    %c0_i32_1 = arith.constant 0 : i32
    return %c0_i32, %c0_i32_0 : i32, i32
  }
  func.func @transform_7(%arg0: i32, %arg1: i32) -> (i32, i32, i32) {
    %c0_i32 = arith.constant 0 : i32
    %c0_i32_0 = arith.constant 0 : i32
    %c0_i32_1 = arith.constant 0 : i32
    return %arg0, %c0_i32, %c0_i32_0 : i32, i32, i32
  }
}

</mosaic_0001>

<sc_bundles>
// kernel: kernel.18.cloned.1.call-start
scs
__scs_entry_jumppad:
0x0: {  	(pc) =	sbr.rel $0x88, $3  }
0x1: {  	(tag) =	ssettag $0x0;
	lr =	simm.s32 $0x1  }
0x2: {  	[smem:$0x3F89] =	sst lr;
	_ =	strace $0xD0000000  }
0x3: {  	_ = 	snop  }
0x4: {  	_ = 	snop  }
0x5: {  	_ = 	snop  }
0x6: {  	_ = 	snop  }
0x7: {  	_ = 	snop  }
__scs_overlays_trampoline_lowered:
0x8: {  	[smem:$0x3F98] =	sst s0  }
0x9: {  	[smem:$0x3F99] =	sst s1  }
0xa: {  	[smem:$0x3F9A] =	sst s2  }
0xb: {  	[smem:$0x3F9B] =	sst s3  }
0xc: {  	[smem:$0x3F9C] =	sst s4  }
0xd: {  	[smem:$0x3F9D] =	sst s5  }
0xe: {  	[smem:$0x3F9E] =	sst s6  }
0xf: {  	[smem:$0x3F9F] =	sst s7  }
0x10: {  	[smem:$0x3FA0] =	sst s8  }
0x11: {  	[smem:$0x3FA1] =	sst s9;
	s0 =	simm.s32 @!p0 $0x0  }
0x12: {  	s1 =	sld [smem:$0x3F87];
	s0 =	simm.s32 @p0 $0x1  }
0x13: {  	[smem:$0x3FA2] =	sst s0;
	s0 =	simm.s32 @!p1 $0x0  }
0x14: {  	s2 =	sld [smem:$0x3F86];
	s0 =	simm.s32 @p1 $0x1  }
0x15: {  	[smem:$0x3FA3] =	sst s0;
	s0 =	simm.s32 @!p2 $0x0  }
0x16: {  	s3 =	sld [smem:$0x3FDB];
	s0 =	simm.s32 @p2 $0x1  }
0x17: {  	s4 =	simm.s32 $0x1BF5;
	[smem:$0x3FA5] =	sst s0  }
0x18: {  	s0 =	sld [smem:$0x3F88];
	_ =	swait.ge [sflag:s4], $0x0  }
0x19: {  	s7 =	sld [smem:$0x3F89]  }
0x1a: {  	s8 =	sadd.s32 $0xFFFFE003, lr  }
0x1b: {  	s9 =	sadd.s32 $0xFFFFFEF7, lr;
	s5 =	simm.s32 $0xFFFFFFFF;
	p2 =	slt.u32 s8, $0xFFFFF086  }
0x1c: {  	p1 =	slt.u32 s9, $0xF7A;
	s5 =	simm.s32 @!p2 $0x0  }
0x1d: {  	s5 =	simm.s32 @p1 $0x1;
	p0 =	seq.s32 s7, s2  }
0x1e: {  	s7 =	smul.u32 @!p0 $0xF7A, s2;
	p2 =	seq.s32 @!p0 s5, $0x0  }
0x1f: {  	s9 =	smul.u32 $0xF7A, s1;
	s8 =	simm.s32 @!p0 $0x1BF5;
	p2 =	por !p2, p0  }
0x20: {  	[sflag:s8] =	ssyncset.s32 @!p0 $0xFFFFF086;
	s6 =	sadd.s32 @!p0 s3, s7;
	s7 =	simm.s32 @!p0 $0x108  }
0x21: {  	s3 =	sadd.s32 s3, s9;
	s6 =	sadd.s32 @!p0 $0x88, s6;
	s7 =	simm.s32 @p2 $0x1082  }
0x22: {  	[simem:s7], [sflag:s8] =	dma.local @!p0 [hbm:s6], $0xF7A  }
0x23: {  	s9 =	sor.u32 $0xD0000000, s2;
	s6 =	simm.s32 $0x108;
	_ =	swait.ge @!p0 [sflag:s8], $0x0  }
0x24: {  	s3 =	sadd.s32 $0x88, s3;
	s6 =	simm.s32 @!p1 $0x1082;
	[sflag:s4] =	ssyncset.s32 $0xFFFFF086  }
0x25: {  	[simem:s6], [sflag:s4] =	dma.local [hbm:s3], $0xF7A  }
0x26: {  	[smem:$0x3F89] =	sst s1;
	(tag) =	ssettag s2;
	_ =	strace s9  }
0x27: {  	s1 =	sld [smem:$0x3F99]  }
0x28: {  	s2 =	sld [smem:$0x3F9A]  }
0x29: {  	s4 =	sld [smem:$0x3F9C]  }
0x2a: {  	p0 =	seq.s32 s5, $0x0;
	s5 =	sld [smem:$0x3F9D]  }
0x2b: {  	s6 =	sld [smem:$0x3F9E]  }
0x2c: {  	s7 =	sld [smem:$0x3F9F]  }
0x2d: {  	s3 =	simm.s32 $0x108;
	s8 =	sld [smem:$0x3FA0]  }
0x2e: {  	s3 =	simm.s32 @!p0 $0x1082;
	s9 =	sld [smem:$0x3FA1]  }
0x2f: {  	lr =	sadd.s32 s0, s3;
	s0 =	sld [smem:$0x3F98]  }
0x30: {  	s3 =	sld [smem:$0x3F9B]  }
0x31: {  	[smem:$0x3FA4] =	sst s10  }
0x32: {  	s10 =	sld [smem:$0x3FA2];
	_ =	sdelay $0x3  }
0x33: {  	p0 =	seq.s32 s10, $0x1;
	s10 =	sld [smem:$0x3FA4];
	_ =	sdelay $0x3  }
0x34: {  	[smem:$0x3FA4] =	sst s10  }
0x35: {  	s10 =	sld [smem:$0x3FA3];
	_ =	sdelay $0x3  }
0x36: {  	p1 =	seq.s32 s10, $0x1;
	s10 =	sld [smem:$0x3FA4];
	_ =	sdelay $0x3  }
0x37: {  	[smem:$0x3FA4] =	sst s10  }
0x38: {  	s10 =	sld [smem:$0x3FA5]  }
0x39: {  	_ = 	snop;
	(pc) =	sbr.ind lr, $3  }
0x3a: {  	_ = 	snop  }
0x3b: {  	_ = 	snop  }
0x3c: {  	p2 =	seq.s32 s10, $0x1;
	s10 =	sld [smem:$0x3FA4]  }
0x3d: {  	_ =	shalt  }
0x3e: {  	_ =	shalt  }
0x3f: {  	_ =	shalt  }
0x40: {  	_ =	shalt  }
0x41: {  	_ =	shalt  }
0x42: {  	_ =	shalt  }
0x43: {  	_ =	shalt  }
0x44: {  	_ =	shalt  }
0x45: {  	_ =	shalt  }
0x46: {  	_ =	shalt  }
0x47: {  	_ =	shalt  }
0x48: {  	_ =	shalt  }
0x49: {  	_ =	shalt  }
0x4a: {  	_ =	shalt  }
0x4b: {  	_ =	shalt  }
0x4c: {  	_ =	shalt  }
0x4d: {  	_ =	shalt  }
0x4e: {  	_ =	shalt  }
0x4f: {  	_ =	shalt  }
0x50: {  	_ =	shalt  }
0x51: {  	_ =	shalt  }
0x52: {  	_ =	shalt  }
0x53: {  	_ =	shalt  }
0x54: {  	_ =	shalt  }
0x55: {  	_ =	shalt  }
0x56: {  	_ =	shalt  }
0x57: {  	_ =	shalt  }
0x58: {  	_ =	shalt  }
0x59: {  	_ =	shalt  }
0x5a: {  	_ =	shalt  }
0x5b: {  	_ =	shalt  }
0x5c: {  	_ =	shalt  }
0x5d: {  	_ =	shalt  }
0x5e: {  	_ =	shalt  }
0x5f: {  	_ =	shalt  }
0x60: {  	_ =	shalt  }
0x61: {  	_ =	shalt  }
0x62: {  	_ =	shalt  }
0x63: {  	_ =	shalt  }
0x64: {  	_ =	shalt  }
0x65: {  	_ =	shalt  }
0x66: {  	_ =	shalt  }
0x67: {  	_ =	shalt  }
0x68: {  	_ =	shalt  }
0x69: {  	_ =	shalt  }
0x6a: {  	_ =	shalt  }
0x6b: {  	_ =	shalt  }
0x6c: {  	_ =	shalt  }
0x6d: {  	_ =	shalt  }
0x6e: {  	_ =	shalt  }
0x6f: {  	_ =	shalt  }
0x70: {  	_ =	shalt  }
0x71: {  	_ =	shalt  }
0x72: {  	_ =	shalt  }
0x73: {  	_ =	shalt  }
0x74: {  	_ =	shalt  }
0x75: {  	_ =	shalt  }
0x76: {  	_ =	shalt  }
0x77: {  	_ =	shalt  }
0x78: {  	_ =	shalt  }
0x79: {  	_ =	shalt  }
0x7a: {  	_ =	shalt  }
0x7b: {  	_ =	shalt  }
0x7c: {  	_ =	shalt  }
0x7d: {  	_ =	shalt  }
0x7e: {  	_ =	shalt  }
0x7f: {  	_ =	shalt  }
0x80: {  	_ =	shalt  }
0x81: {  	_ =	shalt  }
0x82: {  	_ =	shalt  }
0x83: {  	_ =	shalt  }
0x84: {  	_ =	shalt  }
0x85: {  	_ =	shalt  }
0x86: {  	_ =	shalt  }
0x87: {  	_ =	shalt  }
.Lfunc_end0:
.L_simem_size_0:
called_computation_lowered:
.L_overlay_start_0:
0x88: {  	s2 =	sld [smem:$0x3FD9]  }
0x89: {  	s3 =	sld [smem:$0x3FFE];
	_ =	sdelay $0x1  }
0x8a: {  	s1 =	srdreg.scid  }
0x8b: {  	s0 =	sand.u32 $0x1, s1  }
0x8c: {  	s16 =	sshll.u32 s0, $0xA;
	s2 =	sadd.s32 s3, s2  }
0x8d: {  	s2 =	sadd.s32 s2, s16  }
0x8e: {  	[smem:$0x3FB0] =	sst s2  }
0x8f: {  	_ = 	snop  }
0x90: {  	(tm) =	ssettm $0x1  }
0x91: {  	s17 =	sld [smem:$0x3FFB];
	_ =	sdelay $0x3  }
0x92: {  	_ =	strace s17  }
0x93: {  	s2 =	sld [smem:$0x3FFC];
	_ =	sdelay $0x3  }
0x94: {  	_ =	strace s2  }
0x95: {  	s2 =	sld [smem:$0x3FFD];
	_ =	sdelay $0x3  }
0x96: {  	_ =	strace s2  }
0x97: {  	_ =	strace $0x8FFFFFFF  }
0x98: {  	s18 =	sld [smem:$0x3FDB];
	_ =	sdelay $0x1  }
0x99: {  	s19 =	simm.s32 $_scs_section_size  }
0x9a: {  	s4 =	simm.s32 $_size__tile_overlayer_lowered;
	s5 =	simm.s32 $_tile_overlayer_lowered  }
0x9b: {  	s22 =	simm.s32 $0x1BFF;
	s21 =	sshll.u32 s5, $0x1;
	s2 =	sadd.s32 s19, s18  }
0x9c: {  	s6 =	simm.s32 $0x0;
	s20 =	sshll.u32 s4, $0x1;
	s4 =	sadd.s32 s21, s2  }
0x9d: {  	[timem:s6], [sflag:s22] =	dma.local [hbm:s4], s20  }
0x9e: {  	_ =	swait.ge [sflag:s22], s20  }
0x9f: {  	s3 =	ssub.s32 $0x0, s20;
	[sflag:s22] =	ssyncset.done $0x0  }
0xa0: {  	[sflag:s22] =	ssyncadd.s32 s3;
	_ =	sdelay $0x1  }
0xa1: {  	s23 =	simm.s32 $0x1B8B  }
0xa2: {  	_ =	swait.ge [sflag:s23], $0x1  }
0xa3: {  	[sflag:s23] =	ssyncset.done $0x0  }
0xa4: {  	s25 =	simm.s32 $0x1B8E;
	s24 =	sld [smem:$0x3FFE];
	[sflag:s23] =	ssyncadd.s32 $0xFFFFFFFF  }
0xa5: {  	s26 =	simm.s32 $execute0_lowered;
	[smem:$0x3FD2] =	sst s25  }
0xa6: {  	s4 =	sshll.u32 s26, $0x1;
	_ =	strace $0x80000046;
	[dreg:$0x1] =	wrdreg $0xFFFFFFFF  }
0xa7: {  	s28 =	simm.s32 $_size_execute0_lowered;
	s2 =	sadd.s32 s2, s4;
	[dreg:$0x0] =	wrdreg $0x0  }
0xa8: {  	s4 =	sshll.u32 s28, $0x1;
	[dreg:$0x2] =	wrdreg s2  }
0xa9: {  	[dreg:$0x3] =	wrdreg s4  }
0xaa: {  	[dreg:$0x4] =	wrdreg $0xC0  }
0xab: {  	_ =	task [dreg:s6], $0x5FFFF  }
0xac: {  	[dreg:$0x1] =	wrdreg $0xFFFFFFFF  }
0xad: {  	[dreg:$0x0] =	wrdreg $0x60  }
0xae: {  	[dreg:$0x2] =	wrdreg s24  }
0xaf: {  	[dreg:$0x3] =	wrdreg $0x9  }
0xb0: {  	_ =	task.clear_ibuf [dreg:s6], $0x4FFFF;
	_ =	strace $0x90000046  }
0xb1: {  	s29 =	simm.s32 $0x9;
	_ =	strace $0x80000048  }
0xb2: {  	_ =	swait.ge [sflag:s29], $0x1  }
0xb3: {  	[sflag:s29] =	ssyncadd.s32 $0xFFFFFFFF  }
0xb4: {  	_ =	strace $0x90000048  }
0xb5: {  	_ =	sfence  }
0xb6: {  	s30 =	sld [smem:$0x0];
	_ =	sdelay $0x2  }
0xb7: {  	s31 =	sshll.u32 s1, $0xD;
	s1 =	sshrl.u32 s1, $0x2  }
0xb8: {  	s3 =	sand.u32 $0x4000, s31;
	s1 =	sadd.s32 s1, s30  }
0xb9: {  	s0 =	sor.u32 s3, s0;
	s1 =	sshll.u32 s1, $0x11  }
0xba: {  	s0 =	sor.u32 s1, s0  }
0xbb: {  	s0 =	sadd.s32 $0x8F2B, s0  }
0xbc: {  	[sflag:s0] =	ssyncadd.remote.s32 $0x1  }
0xbd: {  	_ =	sfence.sel $0xFFFF  }
0xbe: {  	[dreg:$0x0] =	wrdreg $0xFFFFFFFF;
	(pc) =	sbr.abs _section_cstart, $3  }
0xbf: {  	[dreg:$0x1] =	wrdreg $0xFFFFFFFF  }
0xc0: {  	_ =	task.clear_ibuf [dreg:s6], $0x2FFFF;
	_ =	strace $0x9FFFFFFF  }
0xc1: {  	(tm) =	ssettm $0x7FFFFFFF  }
tec
execute0_lowered:
.L_overlay_start_1:
0x0: {  	(tag) =	ssettag $0x1  }
0x1: {  	s4 =	rddreg [dreg:$0x0]  }
0x2: {  	s0 =	rddreg [dreg:$0x1];
	s2 =	simm.s32 $0x0;
	s1 =	stileid.u32  }
0x3: {  	s3 =	srdreg.scid;
	s10 =	simm.s32 $0x0;
	s6 =	smul.u32 $0xA00, s1  }
0x4: {  	[smem:$0x7FF] =	sst s2;
	s5 =	sand.u32 $0x1, s3;
	s8 =	smul.u32 $0x5000, s1  }
0x5: {  	s3 =	sadd.s32 $0x5C00, s4;
	s7 =	smul.u32 $0x500, s5;
	s9 =	ssub.s32 $0x2, s5  }
0x6: {  	_ =	strace $0x80000047;
	s5 =	smul.u32 $0x2800, s5;
	s31 =	sshrl.u32 s9, $0x1  }
0x7: {  	s8 =	sadd.s32 s8, s4;
	s6 =	sadd.s32 s7, s6;
	s7 =	ssub.s32 s9, s31  }
0x8: {  	s5 =	sadd.s32 s5, s8;
	s8 =	simm.s32 $0x80;
	s6 =	sshrl.u32 s6, $0x3  }
0x9: {  	s9 =	simm.s32 $0x1;
	s5 =	sadd.s32 $0x9C00, s5;
	s6 =	sadd.s32 s6, s4  }
0xa: {  	s4 =	smax.u32 s7, $0x1;
	s7 =	simm.s32 $0x2;
	s6 =	sadd.s32 $0x4800, s6  }
.LBB2_1:
0xb: {  	s11 =	sadd.s32 $0x0, s6  }
0xc: {  	[tilespmem:s2], [sflag:$0x2] =	stream.linear.gather [hbm4b:s11+s2], $0x80, $0x38;
	[tilespmem:$0x2080] =	vst v63  }
0xd: {  	_ =	swait.ge [sflag:s7], $0x80  }
0xe: {  	[sflag:s7] =	ssyncset.done $0x0  }
0xf: {  	[sflag:s7] =	ssyncadd.s32 $0xFFFFFF80  }
0x10: {  	[tilespmem:s8], [sflag:$0x1] =	stream.indirect.gather [hbm4b:s3+s8], $0x40, s2, s8, $0xb8;
	[tilespmem:$0x2080] =	vst v63  }
0x11: {  	_ =	swait.ge [sflag:s9], $0x2000  }
0x12: {  	[sflag:s9] =	ssyncset.done $0x0  }
0x13: {  	[sflag:s9] =	ssyncadd.s32 $0xFFFFE000  }
0x14: {  	[hbm4b:s5+s2] =	stream.linear.scatter [tilespmem:s8], [sflag:$0x2], $0x2000, $0x38;
	[tilespmem:$0x2080] =	vst v63  }
0x15: {  	s12 =	simm.s32 $0x10;
	_ =	swait.ge [sflag:s7], $0x2000  }
0x16: {  	s13 =	simm.s32 $0x20;
	s11 =	sadd.s32 $0x400, s5;
	[sflag:s7] =	ssyncset.done $0x0  }
.LBB2_2:
0x17: {  	s14 =	sadd.s32 s12, s6  }
0x18: {  	[sflag:s7] =	ssyncadd.s32 $0xFFFFE000;
	s12 =	smov.u32 s13;
	s15 =	sadd.s32 $0x10, s13  }
0x19: {  	[tilespmem:s2], [sflag:$0x2] =	stream.linear.gather [hbm4b:s14+s2], $0x80, $0x38;
	[tilespmem:$0x2080] =	vst v63  }
0x1a: {  	p0 =	sne.s32 s13, $0x90;
	_ =	swait.ge [sflag:s7], $0x80  }
0x1b: {  	[sflag:s7] =	ssyncset.done $0x0  }
0x1c: {  	[sflag:s7] =	ssyncadd.s32 $0xFFFFFF80  }
0x1d: {  	[tilespmem:s8], [sflag:$0x1] =	stream.indirect.gather [hbm4b:s3+s8], $0x40, s2, s8, $0xb8;
	[tilespmem:$0x2080] =	vst v63  }
0x1e: {  	_ =	swait.ge [sflag:s9], $0x2000  }
.Ltmp0:
0x1f: {  	[sflag:s9] =	ssyncset.done $0x0;
	(pc) =	sbr.rel @p0 .LBB2_2-.Ltmp0, $4  }
0x20: {  	[sflag:s9] =	ssyncadd.s32 $0xFFFFE000  }
0x21: {  	[hbm4b:s11+s2] =	stream.linear.scatter [tilespmem:s8], [sflag:$0x2], $0x2000, $0x38;
	[tilespmem:$0x2080] =	vst v63  }
0x22: {  	_ =	swait.ge [sflag:s7], $0x2000  }
0x23: {  	s13 =	smov.u32 s15;
	s11 =	sadd.s32 $0x400, s11;
	[sflag:s7] =	ssyncset.done $0x0  }
0x24: {  	s12 =	sadd.s32 s12, s6;
	[sflag:s7] =	ssyncadd.s32 $0xFFFFE000  }
0x25: {  	[tilespmem:s2], [sflag:$0x2] =	stream.linear.gather [hbm4b:s12+s2], $0x80, $0x38;
	[tilespmem:$0x2080] =	vst v63  }
0x26: {  	_ =	swait.ge [sflag:s7], $0x80  }
0x27: {  	[sflag:s7] =	ssyncset.done $0x0  }
0x28: {  	[sflag:s7] =	ssyncadd.s32 $0xFFFFFF80  }
0x29: {  	[tilespmem:s8], [sflag:$0x1] =	stream.indirect.gather [hbm4b:s3+s8], $0x40, s2, s8, $0xb8;
	[tilespmem:$0x2080] =	vst v63  }
0x2a: {  	s10 =	sadd.s32 $0x1, s10;
	_ =	swait.ge [sflag:s9], $0x2000  }
0x2b: {  	p0 =	sne.s32 s10, s4;
	[sflag:s9] =	ssyncset.done $0x0  }
.Ltmp1:
0x2c: {  	[sflag:s9] =	ssyncadd.s32 $0xFFFFE000;
	(pc) =	sbr.rel @p0 .LBB2_1-.Ltmp1, $4  }
0x2d: {  	[hbm4b:s11+s2] =	stream.linear.scatter [tilespmem:s8], [sflag:$0x2], $0x2000, $0x38;
	[tilespmem:$0x2080] =	vst v63  }
0x2e: {  	_ =	swait.ge [sflag:s7], $0x2000  }
0x2f: {  	[sflag:s7] =	ssyncset.done $0x0  }
0x30: {  	[sflag:s7] =	ssyncadd.s32 $0xFFFFE000  }
0x31: {  	_ =	sfence.sel $0x180000  }
0x32: {  	[bflag:$0x0] =	sbarrier.arrive $0xFFFF  }
0x33: {  	p0 =	sne.s32 s1, $0x0;
	_ =	strace $0x90000047  }
0x34: {  	s0 =	sadd.s32 @!p0 $0x100000, s0;
	[bflag:$0x2] =	sbarrier.arrive $0xFFFF  }
0x35: {  	[sflag:s0] =	ssyncadd.tile.s32 @!p0 $0x1;
	_ =	shalt  }
.Lfunc_end2:
_tile_overlayer_lowered:
.L_overlay_start_2:
0x36: {  	(tag) =	ssettag $0x2  }
0x37: {  	s0 =	rddreg [dreg:$0x0];
	s2 =	stileid.u32  }
0x38: {  	s1 =	rddreg [dreg:$0x1];
	p0 =	sne.s32 s2, $0x0  }
0x39: {  	s3 =	rddreg [dreg:$0x2];
	[bflag:$0x3] =	sbarrier.arrive $0xFFFF;
	s2 =	simm.s32 @!p0 $0x1C02  }
0x3a: {  	[timem:s3], [sflag:s2] =	dma.local @!p0 [hbm:s0], s1  }
0x3b: {  	s0 =	simm.s32 @!p0 $0x2  }
0x3c: {  	_ =	swait.ge @!p0 [sflag:s0], s1  }
0x3d: {  	s1 =	ssub.s32 @!p0 $0x0, s1;
	[sflag:s0] =	ssyncset.done @!p0 $0x0  }
0x3e: {  	[sflag:s0] =	ssyncadd.s32 @!p0 s1  }
0x3f: {  	[bflag:$0x3] =	sbarrier.arrive $0xFFFF  }
0x40: {  	_ =	shalt  }

// kernel: kernel.21.cloned.1.call-start
scs
__scs_entry_jumppad:
0x0: {  	(pc) =	sbr.rel $0x88, $3  }
0x1: {  	(tag) =	ssettag $0x0;
	lr =	simm.s32 $0x1  }
0x2: {  	[smem:$0x3F89] =	sst lr;
	_ =	strace $0xD0000000  }
0x3: {  	_ = 	snop  }
0x4: {  	_ = 	snop  }
0x5: {  	_ = 	snop  }
0x6: {  	_ = 	snop  }
0x7: {  	_ = 	snop  }
__scs_overlays_trampoline_lowered:
0x8: {  	[smem:$0x3F98] =	sst s0  }
0x9: {  	[smem:$0x3F99] =	sst s1  }
0xa: {  	[smem:$0x3F9A] =	sst s2  }
0xb: {  	[smem:$0x3F9B] =	sst s3  }
0xc: {  	[smem:$0x3F9C] =	sst s4  }
0xd: {  	[smem:$0x3F9D] =	sst s5  }
0xe: {  	[smem:$0x3F9E] =	sst s6  }
0xf: {  	[smem:$0x3F9F] =	sst s7  }
0x10: {  	[smem:$0x3FA0] =	sst s8  }
0x11: {  	[smem:$0x3FA1] =	sst s9;
	s0 =	simm.s32 @!p0 $0x0  }
0x12: {  	s1 =	sld [smem:$0x3F87];
	s0 =	simm.s32 @p0 $0x1  }
0x13: {  	[smem:$0x3FA2] =	sst s0;
	s0 =	simm.s32 @!p1 $0x0  }
0x14: {  	s2 =	sld [smem:$0x3F86];
	s0 =	simm.s32 @p1 $0x1  }
0x15: {  	[smem:$0x3FA3] =	sst s0;
	s0 =	simm.s32 @!p2 $0x0  }
0x16: {  	s3 =	sld [smem:$0x3FDB];
	s0 =	simm.s32 @p2 $0x1  }
0x17: {  	s4 =	simm.s32 $0x1BF5;
	[smem:$0x3FA5] =	sst s0  }
0x18: {  	s0 =	sld [smem:$0x3F88];
	_ =	swait.ge [sflag:s4], $0x0  }
0x19: {  	s7 =	sld [smem:$0x3F89]  }
0x1a: {  	s8 =	sadd.s32 $0xFFFFE003, lr  }
0x1b: {  	s9 =	sadd.s32 $0xFFFFFEF7, lr;
	s5 =	simm.s32 $0xFFFFFFFF;
	p2 =	slt.u32 s8, $0xFFFFF086  }
0x1c: {  	p1 =	slt.u32 s9, $0xF7A;
	s5 =	simm.s32 @!p2 $0x0  }
0x1d: {  	s5 =	simm.s32 @p1 $0x1;
	p0 =	seq.s32 s7, s2  }
0x1e: {  	s7 =	smul.u32 @!p0 $0xF7A, s2;
	p2 =	seq.s32 @!p0 s5, $0x0  }
0x1f: {  	s9 =	smul.u32 $0xF7A, s1;
	s8 =	simm.s32 @!p0 $0x1BF5;
	p2 =	por !p2, p0  }
0x20: {  	[sflag:s8] =	ssyncset.s32 @!p0 $0xFFFFF086;
	s6 =	sadd.s32 @!p0 s3, s7;
	s7 =	simm.s32 @!p0 $0x108  }
0x21: {  	s3 =	sadd.s32 s3, s9;
	s6 =	sadd.s32 @!p0 $0x88, s6;
	s7 =	simm.s32 @p2 $0x1082  }
0x22: {  	[simem:s7], [sflag:s8] =	dma.local @!p0 [hbm:s6], $0xF7A  }
0x23: {  	s9 =	sor.u32 $0xD0000000, s2;
	s6 =	simm.s32 $0x108;
	_ =	swait.ge @!p0 [sflag:s8], $0x0  }
0x24: {  	s3 =	sadd.s32 $0x88, s3;
	s6 =	simm.s32 @!p1 $0x1082;
	[sflag:s4] =	ssyncset.s32 $0xFFFFF086  }
0x25: {  	[simem:s6], [sflag:s4] =	dma.local [hbm:s3], $0xF7A  }
0x26: {  	[smem:$0x3F89] =	sst s1;
	(tag) =	ssettag s2;
	_ =	strace s9  }
0x27: {  	s1 =	sld [smem:$0x3F99]  }
0x28: {  	s2 =	sld [smem:$0x3F9A]  }
0x29: {  	s4 =	sld [smem:$0x3F9C]  }
0x2a: {  	p0 =	seq.s32 s5, $0x0;
	s5 =	sld [smem:$0x3F9D]  }
0x2b: {  	s6 =	sld [smem:$0x3F9E]  }
0x2c: {  	s7 =	sld [smem:$0x3F9F]  }
0x2d: {  	s3 =	simm.s32 $0x108;
	s8 =	sld [smem:$0x3FA0]  }
0x2e: {  	s3 =	simm.s32 @!p0 $0x1082;
	s9 =	sld [smem:$0x3FA1]  }
0x2f: {  	lr =	sadd.s32 s0, s3;
	s0 =	sld [smem:$0x3F98]  }
0x30: {  	s3 =	sld [smem:$0x3F9B]  }
0x31: {  	[smem:$0x3FA4] =	sst s10  }
0x32: {  	s10 =	sld [smem:$0x3FA2];
	_ =	sdelay $0x3  }
0x33: {  	p0 =	seq.s32 s10, $0x1;
	s10 =	sld [smem:$0x3FA4];
	_ =	sdelay $0x3  }
0x34: {  	[smem:$0x3FA4] =	sst s10  }
0x35: {  	s10 =	sld [smem:$0x3FA3];
	_ =	sdelay $0x3  }
0x36: {  	p1 =	seq.s32 s10, $0x1;
	s10 =	sld [smem:$0x3FA4];
	_ =	sdelay $0x3  }
0x37: {  	[smem:$0x3FA4] =	sst s10  }
0x38: {  	s10 =	sld [smem:$0x3FA5]  }
0x39: {  	_ = 	snop;
	(pc) =	sbr.ind lr, $3  }
0x3a: {  	_ = 	snop  }
0x3b: {  	_ = 	snop  }
0x3c: {  	p2 =	seq.s32 s10, $0x1;
	s10 =	sld [smem:$0x3FA4]  }
0x3d: {  	_ =	shalt  }
0x3e: {  	_ =	shalt  }
0x3f: {  	_ =	shalt  }
0x40: {  	_ =	shalt  }
0x41: {  	_ =	shalt  }
0x42: {  	_ =	shalt  }
0x43: {  	_ =	shalt  }
0x44: {  	_ =	shalt  }
0x45: {  	_ =	shalt  }
0x46: {  	_ =	shalt  }
0x47: {  	_ =	shalt  }
0x48: {  	_ =	shalt  }
0x49: {  	_ =	shalt  }
0x4a: {  	_ =	shalt  }
0x4b: {  	_ =	shalt  }
0x4c: {  	_ =	shalt  }
0x4d: {  	_ =	shalt  }
0x4e: {  	_ =	shalt  }
0x4f: {  	_ =	shalt  }
0x50: {  	_ =	shalt  }
0x51: {  	_ =	shalt  }
0x52: {  	_ =	shalt  }
0x53: {  	_ =	shalt  }
0x54: {  	_ =	shalt  }
0x55: {  	_ =	shalt  }
0x56: {  	_ =	shalt  }
0x57: {  	_ =	shalt  }
0x58: {  	_ =	shalt  }
0x59: {  	_ =	shalt  }
0x5a: {  	_ =	shalt  }
0x5b: {  	_ =	shalt  }
0x5c: {  	_ =	shalt  }
0x5d: {  	_ =	shalt  }
0x5e: {  	_ =	shalt  }
0x5f: {  	_ =	shalt  }
0x60: {  	_ =	shalt  }
0x61: {  	_ =	shalt  }
0x62: {  	_ =	shalt  }
0x63: {  	_ =	shalt  }
0x64: {  	_ =	shalt  }
0x65: {  	_ =	shalt  }
0x66: {  	_ =	shalt  }
0x67: {  	_ =	shalt  }
0x68: {  	_ =	shalt  }
0x69: {  	_ =	shalt  }
0x6a: {  	_ =	shalt  }
0x6b: {  	_ =	shalt  }
0x6c: {  	_ =	shalt  }
0x6d: {  	_ =	shalt  }
0x6e: {  	_ =	shalt  }
0x6f: {  	_ =	shalt  }
0x70: {  	_ =	shalt  }
0x71: {  	_ =	shalt  }
0x72: {  	_ =	shalt  }
0x73: {  	_ =	shalt  }
0x74: {  	_ =	shalt  }
0x75: {  	_ =	shalt  }
0x76: {  	_ =	shalt  }
0x77: {  	_ =	shalt  }
0x78: {  	_ =	shalt  }
0x79: {  	_ =	shalt  }
0x7a: {  	_ =	shalt  }
0x7b: {  	_ =	shalt  }
0x7c: {  	_ =	shalt  }
0x7d: {  	_ =	shalt  }
0x7e: {  	_ =	shalt  }
0x7f: {  	_ =	shalt  }
0x80: {  	_ =	shalt  }
0x81: {  	_ =	shalt  }
0x82: {  	_ =	shalt  }
0x83: {  	_ =	shalt  }
0x84: {  	_ =	shalt  }
0x85: {  	_ =	shalt  }
0x86: {  	_ =	shalt  }
0x87: {  	_ =	shalt  }
.Lfunc_end0:
.L_simem_size_0:
called_computation.1_lowered:
.L_overlay_start_0:
0x88: {  	s2 =	sld [smem:$0x3FD9]  }
0x89: {  	s3 =	sld [smem:$0x3FFE];
	_ =	sdelay $0x1  }
0x8a: {  	s1 =	srdreg.scid  }
0x8b: {  	s0 =	sand.u32 $0x1, s1  }
0x8c: {  	s16 =	sshll.u32 s0, $0xA;
	s2 =	sadd.s32 s3, s2  }
0x8d: {  	s2 =	sadd.s32 s2, s16  }
0x8e: {  	[smem:$0x3FB0] =	sst s2  }
0x8f: {  	_ = 	snop  }
0x90: {  	(tm) =	ssettm $0x1  }
0x91: {  	s17 =	sld [smem:$0x3FFB];
	_ =	sdelay $0x3  }
0x92: {  	_ =	strace s17  }
0x93: {  	s2 =	sld [smem:$0x3FFC];
	_ =	sdelay $0x3  }
0x94: {  	_ =	strace s2  }
0x95: {  	s2 =	sld [smem:$0x3FFD];
	_ =	sdelay $0x3  }
0x96: {  	_ =	strace s2  }
0x97: {  	_ =	strace $0x8FFFFFFF  }
0x98: {  	s18 =	sld [smem:$0x3FDB];
	_ =	sdelay $0x1  }
0x99: {  	s19 =	simm.s32 $_scs_section_size  }
0x9a: {  	s4 =	simm.s32 $_size__tile_overlayer_lowered;
	s5 =	simm.s32 $_tile_overlayer_lowered  }
0x9b: {  	s22 =	simm.s32 $0x1BFF;
	s21 =	sshll.u32 s5, $0x1;
	s2 =	sadd.s32 s19, s18  }
0x9c: {  	s6 =	simm.s32 $0x0;
	s20 =	sshll.u32 s4, $0x1;
	s4 =	sadd.s32 s21, s2  }
0x9d: {  	[timem:s6], [sflag:s22] =	dma.local [hbm:s4], s20  }
0x9e: {  	_ =	swait.ge [sflag:s22], s20  }
0x9f: {  	s3 =	ssub.s32 $0x0, s20;
	[sflag:s22] =	ssyncset.done $0x0  }
0xa0: {  	[sflag:s22] =	ssyncadd.s32 s3;
	_ =	sdelay $0x1  }
0xa1: {  	s23 =	simm.s32 $0x1B8B  }
0xa2: {  	_ =	swait.ge [sflag:s23], $0x1  }
0xa3: {  	[sflag:s23] =	ssyncset.done $0x0  }
0xa4: {  	s25 =	simm.s32 $0x1B8E;
	s24 =	sld [smem:$0x3FFE];
	[sflag:s23] =	ssyncadd.s32 $0xFFFFFFFF  }
0xa5: {  	s26 =	simm.s32 $execute0_lowered;
	[smem:$0x3FD2] =	sst s25  }
0xa6: {  	s4 =	sshll.u32 s26, $0x1;
	_ =	strace $0x80000049;
	[dreg:$0x1] =	wrdreg $0xFFFFFFFF  }
0xa7: {  	s28 =	simm.s32 $_size_execute0_lowered;
	s2 =	sadd.s32 s2, s4;
	[dreg:$0x0] =	wrdreg $0x0  }
0xa8: {  	s4 =	sshll.u32 s28, $0x1;
	[dreg:$0x2] =	wrdreg s2  }
0xa9: {  	[dreg:$0x3] =	wrdreg s4  }
0xaa: {  	[dreg:$0x4] =	wrdreg $0xC0  }
0xab: {  	_ =	task [dreg:s6], $0x5FFFF  }
0xac: {  	[dreg:$0x1] =	wrdreg $0xFFFFFFFF  }
0xad: {  	[dreg:$0x0] =	wrdreg $0x60  }
0xae: {  	[dreg:$0x2] =	wrdreg s24  }
0xaf: {  	[dreg:$0x3] =	wrdreg $0x9  }
0xb0: {  	_ =	task.clear_ibuf [dreg:s6], $0x4FFFF;
	_ =	strace $0x90000049  }
0xb1: {  	s29 =	simm.s32 $0x9;
	_ =	strace $0x8000004B  }
0xb2: {  	_ =	swait.ge [sflag:s29], $0x1  }
0xb3: {  	[sflag:s29] =	ssyncadd.s32 $0xFFFFFFFF  }
0xb4: {  	_ =	strace $0x9000004B  }
0xb5: {  	_ =	sfence  }
0xb6: {  	s30 =	sld [smem:$0x0];
	_ =	sdelay $0x2  }
0xb7: {  	s31 =	sshll.u32 s1, $0xD;
	s1 =	sshrl.u32 s1, $0x2  }
0xb8: {  	s3 =	sand.u32 $0x4000, s31;
	s1 =	sadd.s32 s1, s30  }
0xb9: {  	s0 =	sor.u32 s3, s0;
	s1 =	sshll.u32 s1, $0x11  }
0xba: {  	s0 =	sor.u32 s1, s0  }
0xbb: {  	s0 =	sadd.s32 $0x8F2B, s0  }
0xbc: {  	[sflag:s0] =	ssyncadd.remote.s32 $0x1  }
0xbd: {  	_ =	sfence.sel $0xFFFF  }
0xbe: {  	[dreg:$0x0] =	wrdreg $0xFFFFFFFF;
	(pc) =	sbr.abs _section_cstart, $3  }
0xbf: {  	[dreg:$0x1] =	wrdreg $0xFFFFFFFF  }
0xc0: {  	_ =	task.clear_ibuf [dreg:s6], $0x2FFFF;
	_ =	strace $0x9FFFFFFF  }
0xc1: {  	(tm) =	ssettm $0x7FFFFFFF  }
tec
execute0_lowered:
.L_overlay_start_1:
0x0: {  	(tag) =	ssettag $0x1  }
0x1: {  	s4 =	rddreg [dreg:$0x0]  }
0x2: {  	s0 =	rddreg [dreg:$0x1];
	s2 =	simm.s32 $0x0;
	s1 =	stileid.u32  }
0x3: {  	s3 =	srdreg.scid;
	s10 =	simm.s32 $0x0;
	s6 =	smul.u32 $0xA00, s1  }
0x4: {  	[smem:$0x7FF] =	sst s2;
	s5 =	sand.u32 $0x1, s3;
	s8 =	smul.u32 $0x5000, s1  }
0x5: {  	s3 =	sadd.s32 $0x5C00, s4;
	s7 =	smul.u32 $0x500, s5;
	s9 =	ssub.s32 $0x2, s5  }
0x6: {  	_ =	strace $0x8000004A;
	s5 =	smul.u32 $0x2800, s5;
	s31 =	sshrl.u32 s9, $0x1  }
0x7: {  	s8 =	sadd.s32 s8, s4;
	s6 =	sadd.s32 s7, s6;
	s7 =	ssub.s32 s9, s31  }
0x8: {  	s5 =	sadd.s32 s5, s8;
	s8 =	simm.s32 $0x80;
	s6 =	sshrl.u32 s6, $0x3  }
0x9: {  	s9 =	simm.s32 $0x1;
	s5 =	sadd.s32 $0x9C00, s5;
	s6 =	sadd.s32 s6, s4  }
0xa: {  	s4 =	smax.u32 s7, $0x1;
	s7 =	simm.s32 $0x2;
	s6 =	sadd.s32 $0x4800, s6  }
.LBB2_1:
0xb: {  	s11 =	sadd.s32 $0x0, s6  }
0xc: {  	[tilespmem:s2], [sflag:$0x2] =	stream.linear.gather [hbm4b:s11+s2], $0x80, $0x38;
	[tilespmem:$0x2080] =	vst v63  }
0xd: {  	_ =	swait.ge [sflag:s7], $0x80  }
0xe: {  	[sflag:s7] =	ssyncset.done $0x0  }
0xf: {  	[sflag:s7] =	ssyncadd.s32 $0xFFFFFF80  }
0x10: {  	[tilespmem:s8], [sflag:$0x1] =	stream.indirect.gather [hbm4b:s3+s8], $0x40, s2, s8, $0xb8;
	[tilespmem:$0x2080] =	vst v63  }
0x11: {  	_ =	swait.ge [sflag:s9], $0x2000  }
0x12: {  	[sflag:s9] =	ssyncset.done $0x0  }
0x13: {  	[sflag:s9] =	ssyncadd.s32 $0xFFFFE000  }
0x14: {  	[hbm4b:s5+s2] =	stream.linear.scatter [tilespmem:s8], [sflag:$0x2], $0x2000, $0x38;
	[tilespmem:$0x2080] =	vst v63  }
0x15: {  	s12 =	simm.s32 $0x10;
	_ =	swait.ge [sflag:s7], $0x2000  }
0x16: {  	s13 =	simm.s32 $0x20;
	s11 =	sadd.s32 $0x400, s5;
	[sflag:s7] =	ssyncset.done $0x0  }
.LBB2_2:
0x17: {  	s14 =	sadd.s32 s12, s6  }
0x18: {  	[sflag:s7] =	ssyncadd.s32 $0xFFFFE000;
	s12 =	smov.u32 s13;
	s15 =	sadd.s32 $0x10, s13  }
0x19: {  	[tilespmem:s2], [sflag:$0x2] =	stream.linear.gather [hbm4b:s14+s2], $0x80, $0x38;
	[tilespmem:$0x2080] =	vst v63  }
0x1a: {  	p0 =	sne.s32 s13, $0x90;
	_ =	swait.ge [sflag:s7], $0x80  }
0x1b: {  	[sflag:s7] =	ssyncset.done $0x0  }
0x1c: {  	[sflag:s7] =	ssyncadd.s32 $0xFFFFFF80  }
0x1d: {  	[tilespmem:s8], [sflag:$0x1] =	stream.indirect.gather [hbm4b:s3+s8], $0x40, s2, s8, $0xb8;
	[tilespmem:$0x2080] =	vst v63  }
0x1e: {  	_ =	swait.ge [sflag:s9], $0x2000  }
.Ltmp0:
0x1f: {  	[sflag:s9] =	ssyncset.done $0x0;
	(pc) =	sbr.rel @p0 .LBB2_2-.Ltmp0, $4  }
0x20: {  	[sflag:s9] =	ssyncadd.s32 $0xFFFFE000  }
0x21: {  	[hbm4b:s11+s2] =	stream.linear.scatter [tilespmem:s8], [sflag:$0x2], $0x2000, $0x38;
	[tilespmem:$0x2080] =	vst v63  }
0x22: {  	_ =	swait.ge [sflag:s7], $0x2000  }
0x23: {  	s13 =	smov.u32 s15;
	s11 =	sadd.s32 $0x400, s11;
	[sflag:s7] =	ssyncset.done $0x0  }
0x24: {  	s12 =	sadd.s32 s12, s6;
	[sflag:s7] =	ssyncadd.s32 $0xFFFFE000  }
0x25: {  	[tilespmem:s2], [sflag:$0x2] =	stream.linear.gather [hbm4b:s12+s2], $0x80, $0x38;
	[tilespmem:$0x2080] =	vst v63  }
0x26: {  	_ =	swait.ge [sflag:s7], $0x80  }
0x27: {  	[sflag:s7] =	ssyncset.done $0x0  }
0x28: {  	[sflag:s7] =	ssyncadd.s32 $0xFFFFFF80  }
0x29: {  	[tilespmem:s8], [sflag:$0x1] =	stream.indirect.gather [hbm4b:s3+s8], $0x40, s2, s8, $0xb8;
	[tilespmem:$0x2080] =	vst v63  }
0x2a: {  	s10 =	sadd.s32 $0x1, s10;
	_ =	swait.ge [sflag:s9], $0x2000  }
0x2b: {  	p0 =	sne.s32 s10, s4;
	[sflag:s9] =	ssyncset.done $0x0  }
.Ltmp1:
0x2c: {  	[sflag:s9] =	ssyncadd.s32 $0xFFFFE000;
	(pc) =	sbr.rel @p0 .LBB2_1-.Ltmp1, $4  }
0x2d: {  	[hbm4b:s11+s2] =	stream.linear.scatter [tilespmem:s8], [sflag:$0x2], $0x2000, $0x38;
	[tilespmem:$0x2080] =	vst v63  }
0x2e: {  	_ =	swait.ge [sflag:s7], $0x2000  }
0x2f: {  	[sflag:s7] =	ssyncset.done $0x0  }
0x30: {  	[sflag:s7] =	ssyncadd.s32 $0xFFFFE000  }
0x31: {  	_ =	sfence.sel $0x180000  }
0x32: {  	[bflag:$0x0] =	sbarrier.arrive $0xFFFF  }
0x33: {  	p0 =	sne.s32 s1, $0x0;
	_ =	strace $0x9000004A  }
0x34: {  	s0 =	sadd.s32 @!p0 $0x100000, s0;
	[bflag:$0x2] =	sbarrier.arrive $0xFFFF  }
0x35: {  	[sflag:s0] =	ssyncadd.tile.s32 @!p0 $0x1;
	_ =	shalt  }
.Lfunc_end2:
_tile_overlayer_lowered:
.L_overlay_start_2:
0x36: {  	(tag) =	ssettag $0x2  }
0x37: {  	s0 =	rddreg [dreg:$0x0];
	s2 =	stileid.u32  }
0x38: {  	s1 =	rddreg [dreg:$0x1];
	p0 =	sne.s32 s2, $0x0  }
0x39: {  	s3 =	rddreg [dreg:$0x2];
	[bflag:$0x3] =	sbarrier.arrive $0xFFFF;
	s2 =	simm.s32 @!p0 $0x1C02  }
0x3a: {  	[timem:s3], [sflag:s2] =	dma.local @!p0 [hbm:s0], s1  }
0x3b: {  	s0 =	simm.s32 @!p0 $0x2  }
0x3c: {  	_ =	swait.ge @!p0 [sflag:s0], s1  }
0x3d: {  	s1 =	ssub.s32 @!p0 $0x0, s1;
	[sflag:s0] =	ssyncset.done @!p0 $0x0  }
0x3e: {  	[sflag:s0] =	ssyncadd.s32 @!p0 s1  }
0x3f: {  	[bflag:$0x3] =	sbarrier.arrive $0xFFFF  }
0x40: {  	_ =	shalt  }

// kernel: kernel.24.cloned.1.call-start
scs
__scs_entry_jumppad:
0x0: {  	(pc) =	sbr.rel $0x88, $3  }
0x1: {  	(tag) =	ssettag $0x0;
	lr =	simm.s32 $0x1  }
0x2: {  	[smem:$0x3F89] =	sst lr;
	_ =	strace $0xD0000000  }
0x3: {  	_ = 	snop  }
0x4: {  	_ = 	snop  }
0x5: {  	_ = 	snop  }
0x6: {  	_ = 	snop  }
0x7: {  	_ = 	snop  }
__scs_overlays_trampoline_lowered:
0x8: {  	[smem:$0x3F98] =	sst s0  }
0x9: {  	[smem:$0x3F99] =	sst s1  }
0xa: {  	[smem:$0x3F9A] =	sst s2  }
0xb: {  	[smem:$0x3F9B] =	sst s3  }
0xc: {  	[smem:$0x3F9C] =	sst s4  }
0xd: {  	[smem:$0x3F9D] =	sst s5  }
0xe: {  	[smem:$0x3F9E] =	sst s6  }
0xf: {  	[smem:$0x3F9F] =	sst s7  }
0x10: {  	[smem:$0x3FA0] =	sst s8  }
0x11: {  	[smem:$0x3FA1] =	sst s9;
	s0 =	simm.s32 @!p0 $0x0  }
0x12: {  	s1 =	sld [smem:$0x3F87];
	s0 =	simm.s32 @p0 $0x1  }
0x13: {  	[smem:$0x3FA2] =	sst s0;
	s0 =	simm.s32 @!p1 $0x0  }
0x14: {  	s2 =	sld [smem:$0x3F86];
	s0 =	simm.s32 @p1 $0x1  }
0x15: {  	[smem:$0x3FA3] =	sst s0;
	s0 =	simm.s32 @!p2 $0x0  }
0x16: {  	s3 =	sld [smem:$0x3FDB];
	s0 =	simm.s32 @p2 $0x1  }
0x17: {  	s4 =	simm.s32 $0x1BF5;
	[smem:$0x3FA5] =	sst s0  }
0x18: {  	s0 =	sld [smem:$0x3F88];
	_ =	swait.ge [sflag:s4], $0x0  }
0x19: {  	s7 =	sld [smem:$0x3F89]  }
0x1a: {  	s8 =	sadd.s32 $0xFFFFE003, lr  }
0x1b: {  	s9 =	sadd.s32 $0xFFFFFEF7, lr;
	s5 =	simm.s32 $0xFFFFFFFF;
	p2 =	slt.u32 s8, $0xFFFFF086  }
0x1c: {  	p1 =	slt.u32 s9, $0xF7A;
	s5 =	simm.s32 @!p2 $0x0  }
0x1d: {  	s5 =	simm.s32 @p1 $0x1;
	p0 =	seq.s32 s7, s2  }
0x1e: {  	s7 =	smul.u32 @!p0 $0xF7A, s2;
	p2 =	seq.s32 @!p0 s5, $0x0  }
0x1f: {  	s9 =	smul.u32 $0xF7A, s1;
	s8 =	simm.s32 @!p0 $0x1BF5;
	p2 =	por !p2, p0  }
0x20: {  	[sflag:s8] =	ssyncset.s32 @!p0 $0xFFFFF086;
	s6 =	sadd.s32 @!p0 s3, s7;
	s7 =	simm.s32 @!p0 $0x108  }
0x21: {  	s3 =	sadd.s32 s3, s9;
	s6 =	sadd.s32 @!p0 $0x88, s6;
	s7 =	simm.s32 @p2 $0x1082  }
0x22: {  	[simem:s7], [sflag:s8] =	dma.local @!p0 [hbm:s6], $0xF7A  }
0x23: {  	s9 =	sor.u32 $0xD0000000, s2;
	s6 =	simm.s32 $0x108;
	_ =	swait.ge @!p0 [sflag:s8], $0x0  }
0x24: {  	s3 =	sadd.s32 $0x88, s3;
	s6 =	simm.s32 @!p1 $0x1082;
	[sflag:s4] =	ssyncset.s32 $0xFFFFF086  }
0x25: {  	[simem:s6], [sflag:s4] =	dma.local [hbm:s3], $0xF7A  }
0x26: {  	[smem:$0x3F89] =	sst s1;
	(tag) =	ssettag s2;
	_ =	strace s9  }
0x27: {  	s1 =	sld [smem:$0x3F99]  }
0x28: {  	s2 =	sld [smem:$0x3F9A]  }
0x29: {  	s4 =	sld [smem:$0x3F9C]  }
0x2a: {  	p0 =	seq.s32 s5, $0x0;
	s5 =	sld [smem:$0x3F9D]  }
0x2b: {  	s6 =	sld [smem:$0x3F9E]  }
0x2c: {  	s7 =	sld [smem:$0x3F9F]  }
0x2d: {  	s3 =	simm.s32 $0x108;
	s8 =	sld [smem:$0x3FA0]  }
0x2e: {  	s3 =	simm.s32 @!p0 $0x1082;
	s9 =	sld [smem:$0x3FA1]  }
0x2f: {  	lr =	sadd.s32 s0, s3;
	s0 =	sld [smem:$0x3F98]  }
0x30: {  	s3 =	sld [smem:$0x3F9B]  }
0x31: {  	[smem:$0x3FA4] =	sst s10  }
0x32: {  	s10 =	sld [smem:$0x3FA2];
	_ =	sdelay $0x3  }
0x33: {  	p0 =	seq.s32 s10, $0x1;
	s10 =	sld [smem:$0x3FA4];
	_ =	sdelay $0x3  }
0x34: {  	[smem:$0x3FA4] =	sst s10  }
0x35: {  	s10 =	sld [smem:$0x3FA3];
	_ =	sdelay $0x3  }
0x36: {  	p1 =	seq.s32 s10, $0x1;
	s10 =	sld [smem:$0x3FA4];
	_ =	sdelay $0x3  }
0x37: {  	[smem:$0x3FA4] =	sst s10  }
0x38: {  	s10 =	sld [smem:$0x3FA5]  }
0x39: {  	_ = 	snop;
	(pc) =	sbr.ind lr, $3  }
0x3a: {  	_ = 	snop  }
0x3b: {  	_ = 	snop  }
0x3c: {  	p2 =	seq.s32 s10, $0x1;
	s10 =	sld [smem:$0x3FA4]  }
0x3d: {  	_ =	shalt  }
0x3e: {  	_ =	shalt  }
0x3f: {  	_ =	shalt  }
0x40: {  	_ =	shalt  }
0x41: {  	_ =	shalt  }
0x42: {  	_ =	shalt  }
0x43: {  	_ =	shalt  }
0x44: {  	_ =	shalt  }
0x45: {  	_ =	shalt  }
0x46: {  	_ =	shalt  }
0x47: {  	_ =	shalt  }
0x48: {  	_ =	shalt  }
0x49: {  	_ =	shalt  }
0x4a: {  	_ =	shalt  }
0x4b: {  	_ =	shalt  }
0x4c: {  	_ =	shalt  }
0x4d: {  	_ =	shalt  }
0x4e: {  	_ =	shalt  }
0x4f: {  	_ =	shalt  }
0x50: {  	_ =	shalt  }
0x51: {  	_ =	shalt  }
0x52: {  	_ =	shalt  }
0x53: {  	_ =	shalt  }
0x54: {  	_ =	shalt  }
0x55: {  	_ =	shalt  }
0x56: {  	_ =	shalt  }
0x57: {  	_ =	shalt  }
0x58: {  	_ =	shalt  }
0x59: {  	_ =	shalt  }
0x5a: {  	_ =	shalt  }
0x5b: {  	_ =	shalt  }
0x5c: {  	_ =	shalt  }
0x5d: {  	_ =	shalt  }
0x5e: {  	_ =	shalt  }
0x5f: {  	_ =	shalt  }
0x60: {  	_ =	shalt  }
0x61: {  	_ =	shalt  }
0x62: {  	_ =	shalt  }
0x63: {  	_ =	shalt  }
0x64: {  	_ =	shalt  }
0x65: {  	_ =	shalt  }
0x66: {  	_ =	shalt  }
0x67: {  	_ =	shalt  }
0x68: {  	_ =	shalt  }
0x69: {  	_ =	shalt  }
0x6a: {  	_ =	shalt  }
0x6b: {  	_ =	shalt  }
0x6c: {  	_ =	shalt  }
0x6d: {  	_ =	shalt  }
0x6e: {  	_ =	shalt  }
0x6f: {  	_ =	shalt  }
0x70: {  	_ =	shalt  }
0x71: {  	_ =	shalt  }
0x72: {  	_ =	shalt  }
0x73: {  	_ =	shalt  }
0x74: {  	_ =	shalt  }
0x75: {  	_ =	shalt  }
0x76: {  	_ =	shalt  }
0x77: {  	_ =	shalt  }
0x78: {  	_ =	shalt  }
0x79: {  	_ =	shalt  }
0x7a: {  	_ =	shalt  }
0x7b: {  	_ =	shalt  }
0x7c: {  	_ =	shalt  }
0x7d: {  	_ =	shalt  }
0x7e: {  	_ =	shalt  }
0x7f: {  	_ =	shalt  }
0x80: {  	_ =	shalt  }
0x81: {  	_ =	shalt  }
0x82: {  	_ =	shalt  }
0x83: {  	_ =	shalt  }
0x84: {  	_ =	shalt  }
0x85: {  	_ =	shalt  }
0x86: {  	_ =	shalt  }
0x87: {  	_ =	shalt  }
.Lfunc_end0:
.L_simem_size_0:
called_computation.2_lowered:
.L_overlay_start_0:
0x88: {  	s2 =	sld [smem:$0x3FD9]  }
0x89: {  	s3 =	sld [smem:$0x3FFE];
	_ =	sdelay $0x1  }
0x8a: {  	s1 =	srdreg.scid  }
0x8b: {  	s0 =	sand.u32 $0x1, s1  }
0x8c: {  	s16 =	sshll.u32 s0, $0xA;
	s2 =	sadd.s32 s3, s2  }
0x8d: {  	s2 =	sadd.s32 s2, s16  }
0x8e: {  	[smem:$0x3FB0] =	sst s2  }
0x8f: {  	_ = 	snop  }
0x90: {  	(tm) =	ssettm $0x1  }
0x91: {  	s17 =	sld [smem:$0x3FFB];
	_ =	sdelay $0x3  }
0x92: {  	_ =	strace s17  }
0x93: {  	s2 =	sld [smem:$0x3FFC];
	_ =	sdelay $0x3  }
0x94: {  	_ =	strace s2  }
0x95: {  	s2 =	sld [smem:$0x3FFD];
	_ =	sdelay $0x3  }
0x96: {  	_ =	strace s2  }
0x97: {  	_ =	strace $0x8FFFFFFF  }
0x98: {  	s18 =	sld [smem:$0x3FDB];
	_ =	sdelay $0x1  }
0x99: {  	s19 =	simm.s32 $_scs_section_size  }
0x9a: {  	s4 =	simm.s32 $_size__tile_overlayer_lowered;
	s5 =	simm.s32 $_tile_overlayer_lowered  }
0x9b: {  	s22 =	simm.s32 $0x1BFF;
	s21 =	sshll.u32 s5, $0x1;
	s2 =	sadd.s32 s19, s18  }
0x9c: {  	s6 =	simm.s32 $0x0;
	s20 =	sshll.u32 s4, $0x1;
	s4 =	sadd.s32 s21, s2  }
0x9d: {  	[timem:s6], [sflag:s22] =	dma.local [hbm:s4], s20  }
0x9e: {  	_ =	swait.ge [sflag:s22], s20  }
0x9f: {  	s3 =	ssub.s32 $0x0, s20;
	[sflag:s22] =	ssyncset.done $0x0  }
0xa0: {  	[sflag:s22] =	ssyncadd.s32 s3;
	_ =	sdelay $0x1  }
0xa1: {  	s23 =	simm.s32 $0x1B8B  }
0xa2: {  	_ =	swait.ge [sflag:s23], $0x1  }
0xa3: {  	[sflag:s23] =	ssyncset.done $0x0  }
0xa4: {  	s25 =	simm.s32 $0x1B8E;
	s24 =	sld [smem:$0x3FFE];
	[sflag:s23] =	ssyncadd.s32 $0xFFFFFFFF  }
0xa5: {  	s26 =	simm.s32 $execute0_lowered;
	[smem:$0x3FD2] =	sst s25  }
0xa6: {  	s4 =	sshll.u32 s26, $0x1;
	_ =	strace $0x8000004C;
	[dreg:$0x1] =	wrdreg $0xFFFFFFFF  }
0xa7: {  	s28 =	simm.s32 $_size_execute0_lowered;
	s2 =	sadd.s32 s2, s4;
	[dreg:$0x0] =	wrdreg $0x0  }
0xa8: {  	s4 =	sshll.u32 s28, $0x1;
	[dreg:$0x2] =	wrdreg s2  }
0xa9: {  	[dreg:$0x3] =	wrdreg s4  }
0xaa: {  	[dreg:$0x4] =	wrdreg $0xC0  }
0xab: {  	_ =	task [dreg:s6], $0x5FFFF  }
0xac: {  	[dreg:$0x1] =	wrdreg $0xFFFFFFFF  }
0xad: {  	[dreg:$0x0] =	wrdreg $0x60  }
0xae: {  	[dreg:$0x2] =	wrdreg s24  }
0xaf: {  	[dreg:$0x3] =	wrdreg $0x9  }
0xb0: {  	_ =	task.clear_ibuf [dreg:s6], $0x4FFFF;
	_ =	strace $0x9000004C  }
0xb1: {  	s29 =	simm.s32 $0x9;
	_ =	strace $0x8000004E  }
0xb2: {  	_ =	swait.ge [sflag:s29], $0x1  }
0xb3: {  	[sflag:s29] =	ssyncadd.s32 $0xFFFFFFFF  }
0xb4: {  	_ =	strace $0x9000004E  }
0xb5: {  	_ =	sfence  }
0xb6: {  	s30 =	sld [smem:$0x0];
	_ =	sdelay $0x2  }
0xb7: {  	s31 =	sshll.u32 s1, $0xD;
	s1 =	sshrl.u32 s1, $0x2  }
0xb8: {  	s3 =	sand.u32 $0x4000, s31;
	s1 =	sadd.s32 s1, s30  }
0xb9: {  	s0 =	sor.u32 s3, s0;
	s1 =	sshll.u32 s1, $0x11  }
0xba: {  	s0 =	sor.u32 s1, s0  }
0xbb: {  	s0 =	sadd.s32 $0x8F2B, s0  }
0xbc: {  	[sflag:s0] =	ssyncadd.remote.s32 $0x1  }
0xbd: {  	_ =	sfence.sel $0xFFFF  }
0xbe: {  	[dreg:$0x0] =	wrdreg $0xFFFFFFFF;
	(pc) =	sbr.abs _section_cstart, $3  }
0xbf: {  	[dreg:$0x1] =	wrdreg $0xFFFFFFFF  }
0xc0: {  	_ =	task.clear_ibuf [dreg:s6], $0x2FFFF;
	_ =	strace $0x9FFFFFFF  }
0xc1: {  	(tm) =	ssettm $0x7FFFFFFF  }
tec
execute0_lowered:
.L_overlay_start_1:
0x0: {  	(tag) =	ssettag $0x1  }
0x1: {  	s4 =	rddreg [dreg:$0x0]  }
0x2: {  	s0 =	rddreg [dreg:$0x1];
	s2 =	simm.s32 $0x0;
	s1 =	stileid.u32  }
0x3: {  	s3 =	srdreg.scid;
	s10 =	simm.s32 $0x0;
	s6 =	smul.u32 $0x1400, s1  }
0x4: {  	[smem:$0x7FF] =	sst s2;
	s5 =	sand.u32 $0x1, s3;
	s8 =	smul.u32 $0xA000, s1  }
0x5: {  	s3 =	sadd.s32 $0x4800, s4;
	s7 =	smul.u32 $0xA00, s5;
	s9 =	ssub.s32 $0x2, s5  }
0x6: {  	_ =	strace $0x8000004D;
	s5 =	smul.u32 $0x5000, s5;
	s31 =	sshrl.u32 s9, $0x1  }
0x7: {  	s8 =	sadd.s32 s8, s4;
	s6 =	sadd.s32 s7, s6;
	s7 =	ssub.s32 s9, s31  }
0x8: {  	s5 =	sadd.s32 s5, s8;
	s8 =	simm.s32 $0x80;
	s6 =	sshrl.u32 s6, $0x3  }
0x9: {  	s9 =	simm.s32 $0x1;
	s5 =	sadd.s32 $0xF000, s5;
	s6 =	sadd.s32 s6, s4  }
0xa: {  	s4 =	smax.u32 s7, $0x1;
	s7 =	simm.s32 $0x2;
	s6 =	sadd.s32 $0xC800, s6  }
.LBB2_1:
0xb: {  	s11 =	sadd.s32 $0x0, s6  }
0xc: {  	[tilespmem:s2], [sflag:$0x2] =	stream.linear.gather [hbm4b:s11+s2], $0x80, $0x38;
	[tilespmem:$0x2080] =	vst v63  }
0xd: {  	_ =	swait.ge [sflag:s7], $0x80  }
0xe: {  	[sflag:s7] =	ssyncset.done $0x0  }
0xf: {  	[sflag:s7] =	ssyncadd.s32 $0xFFFFFF80  }
0x10: {  	[tilespmem:s8], [sflag:$0x1] =	stream.indirect.gather [hbm4b:s3+s8], $0x40, s2, s8, $0xb8;
	[tilespmem:$0x2080] =	vst v63  }
0x11: {  	_ =	swait.ge [sflag:s9], $0x2000  }
0x12: {  	[sflag:s9] =	ssyncset.done $0x0  }
0x13: {  	[sflag:s9] =	ssyncadd.s32 $0xFFFFE000  }
0x14: {  	[hbm4b:s5+s2] =	stream.linear.scatter [tilespmem:s8], [sflag:$0x2], $0x2000, $0x38;
	[tilespmem:$0x2080] =	vst v63  }
0x15: {  	s12 =	simm.s32 $0x10;
	_ =	swait.ge [sflag:s7], $0x2000  }
0x16: {  	s13 =	simm.s32 $0x20;
	s11 =	sadd.s32 $0x400, s5;
	[sflag:s7] =	ssyncset.done $0x0  }
.LBB2_2:
0x17: {  	s14 =	sadd.s32 s12, s6  }
0x18: {  	[sflag:s7] =	ssyncadd.s32 $0xFFFFE000;
	s12 =	smov.u32 s13;
	s15 =	sadd.s32 $0x10, s13  }
0x19: {  	[tilespmem:s2], [sflag:$0x2] =	stream.linear.gather [hbm4b:s14+s2], $0x80, $0x38;
	[tilespmem:$0x2080] =	vst v63  }
0x1a: {  	p0 =	sne.s32 s13, $0x130;
	_ =	swait.ge [sflag:s7], $0x80  }
0x1b: {  	[sflag:s7] =	ssyncset.done $0x0  }
0x1c: {  	[sflag:s7] =	ssyncadd.s32 $0xFFFFFF80  }
0x1d: {  	[tilespmem:s8], [sflag:$0x1] =	stream.indirect.gather [hbm4b:s3+s8], $0x40, s2, s8, $0xb8;
	[tilespmem:$0x2080] =	vst v63  }
0x1e: {  	_ =	swait.ge [sflag:s9], $0x2000  }
.Ltmp0:
0x1f: {  	[sflag:s9] =	ssyncset.done $0x0;
	(pc) =	sbr.rel @p0 .LBB2_2-.Ltmp0, $4  }
0x20: {  	[sflag:s9] =	ssyncadd.s32 $0xFFFFE000  }
0x21: {  	[hbm4b:s11+s2] =	stream.linear.scatter [tilespmem:s8], [sflag:$0x2], $0x2000, $0x38;
	[tilespmem:$0x2080] =	vst v63  }
0x22: {  	_ =	swait.ge [sflag:s7], $0x2000  }
0x23: {  	s13 =	smov.u32 s15;
	s11 =	sadd.s32 $0x400, s11;
	[sflag:s7] =	ssyncset.done $0x0  }
0x24: {  	s12 =	sadd.s32 s12, s6;
	[sflag:s7] =	ssyncadd.s32 $0xFFFFE000  }
0x25: {  	[tilespmem:s2], [sflag:$0x2] =	stream.linear.gather [hbm4b:s12+s2], $0x80, $0x38;
	[tilespmem:$0x2080] =	vst v63  }
0x26: {  	_ =	swait.ge [sflag:s7], $0x80  }
0x27: {  	[sflag:s7] =	ssyncset.done $0x0  }
0x28: {  	[sflag:s7] =	ssyncadd.s32 $0xFFFFFF80  }
0x29: {  	[tilespmem:s8], [sflag:$0x1] =	stream.indirect.gather [hbm4b:s3+s8], $0x40, s2, s8, $0xb8;
	[tilespmem:$0x2080] =	vst v63  }
0x2a: {  	s10 =	sadd.s32 $0x1, s10;
	_ =	swait.ge [sflag:s9], $0x2000  }
0x2b: {  	p0 =	sne.s32 s10, s4;
	[sflag:s9] =	ssyncset.done $0x0  }
.Ltmp1:
0x2c: {  	[sflag:s9] =	ssyncadd.s32 $0xFFFFE000;
	(pc) =	sbr.rel @p0 .LBB2_1-.Ltmp1, $4  }
0x2d: {  	[hbm4b:s11+s2] =	stream.linear.scatter [tilespmem:s8], [sflag:$0x2], $0x2000, $0x38;
	[tilespmem:$0x2080] =	vst v63  }
0x2e: {  	_ =	swait.ge [sflag:s7], $0x2000  }
0x2f: {  	[sflag:s7] =	ssyncset.done $0x0  }
0x30: {  	[sflag:s7] =	ssyncadd.s32 $0xFFFFE000  }
0x31: {  	_ =	sfence.sel $0x180000  }
0x32: {  	[bflag:$0x0] =	sbarrier.arrive $0xFFFF  }
0x33: {  	p0 =	sne.s32 s1, $0x0;
	_ =	strace $0x9000004D  }
0x34: {  	s0 =	sadd.s32 @!p0 $0x100000, s0;
	[bflag:$0x2] =	sbarrier.arrive $0xFFFF  }
0x35: {  	[sflag:s0] =	ssyncadd.tile.s32 @!p0 $0x1;
	_ =	shalt  }
.Lfunc_end2:
_tile_overlayer_lowered:
.L_overlay_start_2:
0x36: {  	(tag) =	ssettag $0x2  }
0x37: {  	s0 =	rddreg [dreg:$0x0];
	s2 =	stileid.u32  }
0x38: {  	s1 =	rddreg [dreg:$0x1];
	p0 =	sne.s32 s2, $0x0  }
0x39: {  	s3 =	rddreg [dreg:$0x2];
	[bflag:$0x3] =	sbarrier.arrive $0xFFFF;
	s2 =	simm.s32 @!p0 $0x1C02  }
0x3a: {  	[timem:s3], [sflag:s2] =	dma.local @!p0 [hbm:s0], s1  }
0x3b: {  	s0 =	simm.s32 @!p0 $0x2  }
0x3c: {  	_ =	swait.ge @!p0 [sflag:s0], s1  }
0x3d: {  	s1 =	ssub.s32 @!p0 $0x0, s1;
	[sflag:s0] =	ssyncset.done @!p0 $0x0  }
0x3e: {  	[sflag:s0] =	ssyncadd.s32 @!p0 s1  }
0x3f: {  	[bflag:$0x3] =	sbarrier.arrive $0xFFFF  }
0x40: {  	_ =	shalt  }

// kernel: kernel.27.cloned.1.call-start
scs
__scs_entry_jumppad:
0x0: {  	(pc) =	sbr.rel $0x88, $3  }
0x1: {  	(tag) =	ssettag $0x0;
	lr =	simm.s32 $0x1  }
0x2: {  	[smem:$0x3F89] =	sst lr;
	_ =	strace $0xD0000000  }
0x3: {  	_ = 	snop  }
0x4: {  	_ = 	snop  }
0x5: {  	_ = 	snop  }
0x6: {  	_ = 	snop  }
0x7: {  	_ = 	snop  }
__scs_overlays_trampoline_lowered:
0x8: {  	[smem:$0x3F98] =	sst s0  }
0x9: {  	[smem:$0x3F99] =	sst s1  }
0xa: {  	[smem:$0x3F9A] =	sst s2  }
0xb: {  	[smem:$0x3F9B] =	sst s3  }
0xc: {  	[smem:$0x3F9C] =	sst s4  }
0xd: {  	[smem:$0x3F9D] =	sst s5  }
0xe: {  	[smem:$0x3F9E] =	sst s6  }
0xf: {  	[smem:$0x3F9F] =	sst s7  }
0x10: {  	[smem:$0x3FA0] =	sst s8  }
0x11: {  	[smem:$0x3FA1] =	sst s9;
	s0 =	simm.s32 @!p0 $0x0  }
0x12: {  	s1 =	sld [smem:$0x3F87];
	s0 =	simm.s32 @p0 $0x1  }
0x13: {  	[smem:$0x3FA2] =	sst s0;
	s0 =	simm.s32 @!p1 $0x0  }
0x14: {  	s2 =	sld [smem:$0x3F86];
	s0 =	simm.s32 @p1 $0x1  }
0x15: {  	[smem:$0x3FA3] =	sst s0;
	s0 =	simm.s32 @!p2 $0x0  }
0x16: {  	s3 =	sld [smem:$0x3FDB];
	s0 =	simm.s32 @p2 $0x1  }
0x17: {  	s4 =	simm.s32 $0x1BF5;
	[smem:$0x3FA5] =	sst s0  }
0x18: {  	s0 =	sld [smem:$0x3F88];
	_ =	swait.ge [sflag:s4], $0x0  }
0x19: {  	s7 =	sld [smem:$0x3F89]  }
0x1a: {  	s8 =	sadd.s32 $0xFFFFE003, lr  }
0x1b: {  	s9 =	sadd.s32 $0xFFFFFEF7, lr;
	s5 =	simm.s32 $0xFFFFFFFF;
	p2 =	slt.u32 s8, $0xFFFFF086  }
0x1c: {  	p1 =	slt.u32 s9, $0xF7A;
	s5 =	simm.s32 @!p2 $0x0  }
0x1d: {  	s5 =	simm.s32 @p1 $0x1;
	p0 =	seq.s32 s7, s2  }
0x1e: {  	s7 =	smul.u32 @!p0 $0xF7A, s2;
	p2 =	seq.s32 @!p0 s5, $0x0  }
0x1f: {  	s9 =	smul.u32 $0xF7A, s1;
	s8 =	simm.s32 @!p0 $0x1BF5;
	p2 =	por !p2, p0  }
0x20: {  	[sflag:s8] =	ssyncset.s32 @!p0 $0xFFFFF086;
	s6 =	sadd.s32 @!p0 s3, s7;
	s7 =	simm.s32 @!p0 $0x108  }
0x21: {  	s3 =	sadd.s32 s3, s9;
	s6 =	sadd.s32 @!p0 $0x88, s6;
	s7 =	simm.s32 @p2 $0x1082  }
0x22: {  	[simem:s7], [sflag:s8] =	dma.local @!p0 [hbm:s6], $0xF7A  }
0x23: {  	s9 =	sor.u32 $0xD0000000, s2;
	s6 =	simm.s32 $0x108;
	_ =	swait.ge @!p0 [sflag:s8], $0x0  }
0x24: {  	s3 =	sadd.s32 $0x88, s3;
	s6 =	simm.s32 @!p1 $0x1082;
	[sflag:s4] =	ssyncset.s32 $0xFFFFF086  }
0x25: {  	[simem:s6], [sflag:s4] =	dma.local [hbm:s3], $0xF7A  }
0x26: {  	[smem:$0x3F89] =	sst s1;
	(tag) =	ssettag s2;
	_ =	strace s9  }
0x27: {  	s1 =	sld [smem:$0x3F99]  }
0x28: {  	s2 =	sld [smem:$0x3F9A]  }
0x29: {  	s4 =	sld [smem:$0x3F9C]  }
0x2a: {  	p0 =	seq.s32 s5, $0x0;
	s5 =	sld [smem:$0x3F9D]  }
0x2b: {  	s6 =	sld [smem:$0x3F9E]  }
0x2c: {  	s7 =	sld [smem:$0x3F9F]  }
0x2d: {  	s3 =	simm.s32 $0x108;
	s8 =	sld [smem:$0x3FA0]  }
0x2e: {  	s3 =	simm.s32 @!p0 $0x1082;
	s9 =	sld [smem:$0x3FA1]  }
0x2f: {  	lr =	sadd.s32 s0, s3;
	s0 =	sld [smem:$0x3F98]  }
0x30: {  	s3 =	sld [smem:$0x3F9B]  }
0x31: {  	[smem:$0x3FA4] =	sst s10  }
0x32: {  	s10 =	sld [smem:$0x3FA2];
	_ =	sdelay $0x3  }
0x33: {  	p0 =	seq.s32 s10, $0x1;
	s10 =	sld [smem:$0x3FA4];
	_ =	sdelay $0x3  }
0x34: {  	[smem:$0x3FA4] =	sst s10  }
0x35: {  	s10 =	sld [smem:$0x3FA3];
	_ =	sdelay $0x3  }
0x36: {  	p1 =	seq.s32 s10, $0x1;
	s10 =	sld [smem:$0x3FA4];
	_ =	sdelay $0x3  }
0x37: {  	[smem:$0x3FA4] =	sst s10  }
0x38: {  	s10 =	sld [smem:$0x3FA5]  }
0x39: {  	_ = 	snop;
	(pc) =	sbr.ind lr, $3  }
0x3a: {  	_ = 	snop  }
0x3b: {  	_ = 	snop  }
0x3c: {  	p2 =	seq.s32 s10, $0x1;
	s10 =	sld [smem:$0x3FA4]  }
0x3d: {  	_ =	shalt  }
0x3e: {  	_ =	shalt  }
0x3f: {  	_ =	shalt  }
0x40: {  	_ =	shalt  }
0x41: {  	_ =	shalt  }
0x42: {  	_ =	shalt  }
0x43: {  	_ =	shalt  }
0x44: {  	_ =	shalt  }
0x45: {  	_ =	shalt  }
0x46: {  	_ =	shalt  }
0x47: {  	_ =	shalt  }
0x48: {  	_ =	shalt  }
0x49: {  	_ =	shalt  }
0x4a: {  	_ =	shalt  }
0x4b: {  	_ =	shalt  }
0x4c: {  	_ =	shalt  }
0x4d: {  	_ =	shalt  }
0x4e: {  	_ =	shalt  }
0x4f: {  	_ =	shalt  }
0x50: {  	_ =	shalt  }
0x51: {  	_ =	shalt  }
0x52: {  	_ =	shalt  }
0x53: {  	_ =	shalt  }
0x54: {  	_ =	shalt  }
0x55: {  	_ =	shalt  }
0x56: {  	_ =	shalt  }
0x57: {  	_ =	shalt  }
0x58: {  	_ =	shalt  }
0x59: {  	_ =	shalt  }
0x5a: {  	_ =	shalt  }
0x5b: {  	_ =	shalt  }
0x5c: {  	_ =	shalt  }
0x5d: {  	_ =	shalt  }
0x5e: {  	_ =	shalt  }
0x5f: {  	_ =	shalt  }
0x60: {  	_ =	shalt  }
0x61: {  	_ =	shalt  }
0x62: {  	_ =	shalt  }
0x63: {  	_ =	shalt  }
0x64: {  	_ =	shalt  }
0x65: {  	_ =	shalt  }
0x66: {  	_ =	shalt  }
0x67: {  	_ =	shalt  }
0x68: {  	_ =	shalt  }
0x69: {  	_ =	shalt  }
0x6a: {  	_ =	shalt  }
0x6b: {  	_ =	shalt  }
0x6c: {  	_ =	shalt  }
0x6d: {  	_ =	shalt  }
0x6e: {  	_ =	shalt  }
0x6f: {  	_ =	shalt  }
0x70: {  	_ =	shalt  }
0x71: {  	_ =	shalt  }
0x72: {  	_ =	shalt  }
0x73: {  	_ =	shalt  }
0x74: {  	_ =	shalt  }
0x75: {  	_ =	shalt  }
0x76: {  	_ =	shalt  }
0x77: {  	_ =	shalt  }
0x78: {  	_ =	shalt  }
0x79: {  	_ =	shalt  }
0x7a: {  	_ =	shalt  }
0x7b: {  	_ =	shalt  }
0x7c: {  	_ =	shalt  }
0x7d: {  	_ =	shalt  }
0x7e: {  	_ =	shalt  }
0x7f: {  	_ =	shalt  }
0x80: {  	_ =	shalt  }
0x81: {  	_ =	shalt  }
0x82: {  	_ =	shalt  }
0x83: {  	_ =	shalt  }
0x84: {  	_ =	shalt  }
0x85: {  	_ =	shalt  }
0x86: {  	_ =	shalt  }
0x87: {  	_ =	shalt  }
.Lfunc_end0:
.L_simem_size_0:
called_computation.3_lowered:
.L_overlay_start_0:
0x88: {  	s2 =	sld [smem:$0x3FD9]  }
0x89: {  	s3 =	sld [smem:$0x3FFE];
	_ =	sdelay $0x1  }
0x8a: {  	s1 =	srdreg.scid  }
0x8b: {  	s0 =	sand.u32 $0x1, s1  }
0x8c: {  	s16 =	sshll.u32 s0, $0xA;
	s2 =	sadd.s32 s3, s2  }
0x8d: {  	s2 =	sadd.s32 s2, s16  }
0x8e: {  	[smem:$0x3FB0] =	sst s2  }
0x8f: {  	_ = 	snop  }
0x90: {  	(tm) =	ssettm $0x1  }
0x91: {  	s17 =	sld [smem:$0x3FFB];
	_ =	sdelay $0x3  }
0x92: {  	_ =	strace s17  }
0x93: {  	s2 =	sld [smem:$0x3FFC];
	_ =	sdelay $0x3  }
0x94: {  	_ =	strace s2  }
0x95: {  	s2 =	sld [smem:$0x3FFD];
	_ =	sdelay $0x3  }
0x96: {  	_ =	strace s2  }
0x97: {  	_ =	strace $0x8FFFFFFF  }
0x98: {  	s18 =	sld [smem:$0x3FDB];
	_ =	sdelay $0x1  }
0x99: {  	s19 =	simm.s32 $_scs_section_size  }
0x9a: {  	s4 =	simm.s32 $_size__tile_overlayer_lowered;
	s5 =	simm.s32 $_tile_overlayer_lowered  }
0x9b: {  	s22 =	simm.s32 $0x1BFF;
	s21 =	sshll.u32 s5, $0x1;
	s2 =	sadd.s32 s19, s18  }
0x9c: {  	s6 =	simm.s32 $0x0;
	s20 =	sshll.u32 s4, $0x1;
	s4 =	sadd.s32 s21, s2  }
0x9d: {  	[timem:s6], [sflag:s22] =	dma.local [hbm:s4], s20  }
0x9e: {  	_ =	swait.ge [sflag:s22], s20  }
0x9f: {  	s3 =	ssub.s32 $0x0, s20;
	[sflag:s22] =	ssyncset.done $0x0  }
0xa0: {  	[sflag:s22] =	ssyncadd.s32 s3;
	_ =	sdelay $0x1  }
0xa1: {  	s23 =	simm.s32 $0x1B8B  }
0xa2: {  	_ =	swait.ge [sflag:s23], $0x1  }
0xa3: {  	[sflag:s23] =	ssyncset.done $0x0  }
0xa4: {  	s25 =	simm.s32 $0x1B8E;
	s24 =	sld [smem:$0x3FFE];
	[sflag:s23] =	ssyncadd.s32 $0xFFFFFFFF  }
0xa5: {  	s26 =	simm.s32 $execute0_lowered;
	[smem:$0x3FD2] =	sst s25  }
0xa6: {  	s4 =	sshll.u32 s26, $0x1;
	_ =	strace $0x8000004F;
	[dreg:$0x1] =	wrdreg $0xFFFFFFFF  }
0xa7: {  	s28 =	simm.s32 $_size_execute0_lowered;
	s2 =	sadd.s32 s2, s4;
	[dreg:$0x0] =	wrdreg $0x0  }
0xa8: {  	s4 =	sshll.u32 s28, $0x1;
	[dreg:$0x2] =	wrdreg s2  }
0xa9: {  	[dreg:$0x3] =	wrdreg s4  }
0xaa: {  	[dreg:$0x4] =	wrdreg $0xC0  }
0xab: {  	_ =	task [dreg:s6], $0x5FFFF  }
0xac: {  	[dreg:$0x1] =	wrdreg $0xFFFFFFFF  }
0xad: {  	[dreg:$0x0] =	wrdreg $0x60  }
0xae: {  	[dreg:$0x2] =	wrdreg s24  }
0xaf: {  	[dreg:$0x3] =	wrdreg $0x9  }
0xb0: {  	_ =	task.clear_ibuf [dreg:s6], $0x4FFFF;
	_ =	strace $0x9000004F  }
0xb1: {  	s29 =	simm.s32 $0x9;
	_ =	strace $0x80000051  }
0xb2: {  	_ =	swait.ge [sflag:s29], $0x1  }
0xb3: {  	[sflag:s29] =	ssyncadd.s32 $0xFFFFFFFF  }
0xb4: {  	_ =	strace $0x90000051  }
0xb5: {  	_ =	sfence  }
0xb6: {  	s30 =	sld [smem:$0x0];
	_ =	sdelay $0x2  }
0xb7: {  	s31 =	sshll.u32 s1, $0xD;
	s1 =	sshrl.u32 s1, $0x2  }
0xb8: {  	s3 =	sand.u32 $0x4000, s31;
	s1 =	sadd.s32 s1, s30  }
0xb9: {  	s0 =	sor.u32 s3, s0;
	s1 =	sshll.u32 s1, $0x11  }
0xba: {  	s0 =	sor.u32 s1, s0  }
0xbb: {  	s0 =	sadd.s32 $0x8F2B, s0  }
0xbc: {  	[sflag:s0] =	ssyncadd.remote.s32 $0x1  }
0xbd: {  	_ =	sfence.sel $0xFFFF  }
0xbe: {  	[dreg:$0x0] =	wrdreg $0xFFFFFFFF;
	(pc) =	sbr.abs _section_cstart, $3  }
0xbf: {  	[dreg:$0x1] =	wrdreg $0xFFFFFFFF  }
0xc0: {  	_ =	task.clear_ibuf [dreg:s6], $0x2FFFF;
	_ =	strace $0x9FFFFFFF  }
0xc1: {  	(tm) =	ssettm $0x7FFFFFFF  }
tec
execute0_lowered:
.L_overlay_start_1:
0x0: {  	(tag) =	ssettag $0x1  }
0x1: {  	s4 =	rddreg [dreg:$0x0]  }
0x2: {  	s0 =	rddreg [dreg:$0x1];
	s2 =	simm.s32 $0x0;
	s1 =	stileid.u32  }
0x3: {  	s3 =	srdreg.scid;
	s10 =	simm.s32 $0x0;
	s6 =	smul.u32 $0x1400, s1  }
0x4: {  	[smem:$0x7FF] =	sst s2;
	s5 =	sand.u32 $0x1, s3;
	s8 =	smul.u32 $0xA000, s1  }
0x5: {  	s3 =	sadd.s32 $0x7000, s4;
	s7 =	smul.u32 $0xA00, s5;
	s9 =	ssub.s32 $0x2, s5  }
0x6: {  	_ =	strace $0x80000050;
	s5 =	smul.u32 $0x5000, s5;
	s31 =	sshrl.u32 s9, $0x1  }
0x7: {  	s8 =	sadd.s32 s8, s4;
	s6 =	sadd.s32 s7, s6;
	s7 =	ssub.s32 s9, s31  }
0x8: {  	s5 =	sadd.s32 s5, s8;
	s8 =	simm.s32 $0x80;
	s6 =	sshrl.u32 s6, $0x3  }
0x9: {  	s9 =	simm.s32 $0x1;
	s5 =	sadd.s32 $0xF000, s5;
	s6 =	sadd.s32 s6, s4  }
0xa: {  	s4 =	smax.u32 s7, $0x1;
	s7 =	simm.s32 $0x2;
	s6 =	sadd.s32 $0x4800, s6  }
.LBB2_1:
0xb: {  	s11 =	sadd.s32 $0x0, s6  }
0xc: {  	[tilespmem:s2], [sflag:$0x2] =	stream.linear.gather [hbm4b:s11+s2], $0x80, $0x38;
	[tilespmem:$0x2080] =	vst v63  }
0xd: {  	_ =	swait.ge [sflag:s7], $0x80  }
0xe: {  	[sflag:s7] =	ssyncset.done $0x0  }
0xf: {  	[sflag:s7] =	ssyncadd.s32 $0xFFFFFF80  }
0x10: {  	[tilespmem:s8], [sflag:$0x1] =	stream.indirect.gather [hbm4b:s3+s8], $0x40, s2, s8, $0xb8;
	[tilespmem:$0x2080] =	vst v63  }
0x11: {  	_ =	swait.ge [sflag:s9], $0x2000  }
0x12: {  	[sflag:s9] =	ssyncset.done $0x0  }
0x13: {  	[sflag:s9] =	ssyncadd.s32 $0xFFFFE000  }
0x14: {  	[hbm4b:s5+s2] =	stream.linear.scatter [tilespmem:s8], [sflag:$0x2], $0x2000, $0x38;
	[tilespmem:$0x2080] =	vst v63  }
0x15: {  	s12 =	simm.s32 $0x10;
	_ =	swait.ge [sflag:s7], $0x2000  }
0x16: {  	s13 =	simm.s32 $0x20;
	s11 =	sadd.s32 $0x400, s5;
	[sflag:s7] =	ssyncset.done $0x0  }
.LBB2_2:
0x17: {  	s14 =	sadd.s32 s12, s6  }
0x18: {  	[sflag:s7] =	ssyncadd.s32 $0xFFFFE000;
	s12 =	smov.u32 s13;
	s15 =	sadd.s32 $0x10, s13  }
0x19: {  	[tilespmem:s2], [sflag:$0x2] =	stream.linear.gather [hbm4b:s14+s2], $0x80, $0x38;
	[tilespmem:$0x2080] =	vst v63  }
0x1a: {  	p0 =	sne.s32 s13, $0x130;
	_ =	swait.ge [sflag:s7], $0x80  }
0x1b: {  	[sflag:s7] =	ssyncset.done $0x0  }
0x1c: {  	[sflag:s7] =	ssyncadd.s32 $0xFFFFFF80  }
0x1d: {  	[tilespmem:s8], [sflag:$0x1] =	stream.indirect.gather [hbm4b:s3+s8], $0x40, s2, s8, $0xb8;
	[tilespmem:$0x2080] =	vst v63  }
0x1e: {  	_ =	swait.ge [sflag:s9], $0x2000  }
.Ltmp0:
0x1f: {  	[sflag:s9] =	ssyncset.done $0x0;
	(pc) =	sbr.rel @p0 .LBB2_2-.Ltmp0, $4  }
0x20: {  	[sflag:s9] =	ssyncadd.s32 $0xFFFFE000  }
0x21: {  	[hbm4b:s11+s2] =	stream.linear.scatter [tilespmem:s8], [sflag:$0x2], $0x2000, $0x38;
	[tilespmem:$0x2080] =	vst v63  }
0x22: {  	_ =	swait.ge [sflag:s7], $0x2000  }
0x23: {  	s13 =	smov.u32 s15;
	s11 =	sadd.s32 $0x400, s11;
	[sflag:s7] =	ssyncset.done $0x0  }
0x24: {  	s12 =	sadd.s32 s12, s6;
	[sflag:s7] =	ssyncadd.s32 $0xFFFFE000  }
0x25: {  	[tilespmem:s2], [sflag:$0x2] =	stream.linear.gather [hbm4b:s12+s2], $0x80, $0x38;
	[tilespmem:$0x2080] =	vst v63  }
0x26: {  	_ =	swait.ge [sflag:s7], $0x80  }
0x27: {  	[sflag:s7] =	ssyncset.done $0x0  }
0x28: {  	[sflag:s7] =	ssyncadd.s32 $0xFFFFFF80  }
0x29: {  	[tilespmem:s8], [sflag:$0x1] =	stream.indirect.gather [hbm4b:s3+s8], $0x40, s2, s8, $0xb8;
	[tilespmem:$0x2080] =	vst v63  }
0x2a: {  	s10 =	sadd.s32 $0x1, s10;
	_ =	swait.ge [sflag:s9], $0x2000  }
0x2b: {  	p0 =	sne.s32 s10, s4;
	[sflag:s9] =	ssyncset.done $0x0  }
.Ltmp1:
0x2c: {  	[sflag:s9] =	ssyncadd.s32 $0xFFFFE000;
	(pc) =	sbr.rel @p0 .LBB2_1-.Ltmp1, $4  }
0x2d: {  	[hbm4b:s11+s2] =	stream.linear.scatter [tilespmem:s8], [sflag:$0x2], $0x2000, $0x38;
	[tilespmem:$0x2080] =	vst v63  }
0x2e: {  	_ =	swait.ge [sflag:s7], $0x2000  }
0x2f: {  	[sflag:s7] =	ssyncset.done $0x0  }
0x30: {  	[sflag:s7] =	ssyncadd.s32 $0xFFFFE000  }
0x31: {  	_ =	sfence.sel $0x180000  }
0x32: {  	[bflag:$0x0] =	sbarrier.arrive $0xFFFF  }
0x33: {  	p0 =	sne.s32 s1, $0x0;
	_ =	strace $0x90000050  }
0x34: {  	s0 =	sadd.s32 @!p0 $0x100000, s0;
	[bflag:$0x2] =	sbarrier.arrive $0xFFFF  }
0x35: {  	[sflag:s0] =	ssyncadd.tile.s32 @!p0 $0x1;
	_ =	shalt  }
.Lfunc_end2:
_tile_overlayer_lowered:
.L_overlay_start_2:
0x36: {  	(tag) =	ssettag $0x2  }
0x37: {  	s0 =	rddreg [dreg:$0x0];
	s2 =	stileid.u32  }
0x38: {  	s1 =	rddreg [dreg:$0x1];
	p0 =	sne.s32 s2, $0x0  }
0x39: {  	s3 =	rddreg [dreg:$0x2];
	[bflag:$0x3] =	sbarrier.arrive $0xFFFF;
	s2 =	simm.s32 @!p0 $0x1C02  }
0x3a: {  	[timem:s3], [sflag:s2] =	dma.local @!p0 [hbm:s0], s1  }
0x3b: {  	s0 =	simm.s32 @!p0 $0x2  }
0x3c: {  	_ =	swait.ge @!p0 [sflag:s0], s1  }
0x3d: {  	s1 =	ssub.s32 @!p0 $0x0, s1;
	[sflag:s0] =	ssyncset.done @!p0 $0x0  }
0x3e: {  	[sflag:s0] =	ssyncadd.s32 @!p0 s1  }
0x3f: {  	[bflag:$0x3] =	sbarrier.arrive $0xFFFF  }
0x40: {  	_ =	shalt  }

// kernel: kernel.30.cloned.1.call-start
scs
__scs_entry_jumppad:
0x0: {  	(pc) =	sbr.rel $0x88, $3  }
0x1: {  	(tag) =	ssettag $0x0;
	lr =	simm.s32 $0x1  }
0x2: {  	[smem:$0x3F89] =	sst lr;
	_ =	strace $0xD0000000  }
0x3: {  	_ = 	snop  }
0x4: {  	_ = 	snop  }
0x5: {  	_ = 	snop  }
0x6: {  	_ = 	snop  }
0x7: {  	_ = 	snop  }
__scs_overlays_trampoline_lowered:
0x8: {  	[smem:$0x3F98] =	sst s0  }
0x9: {  	[smem:$0x3F99] =	sst s1  }
0xa: {  	[smem:$0x3F9A] =	sst s2  }
0xb: {  	[smem:$0x3F9B] =	sst s3  }
0xc: {  	[smem:$0x3F9C] =	sst s4  }
0xd: {  	[smem:$0x3F9D] =	sst s5  }
0xe: {  	[smem:$0x3F9E] =	sst s6  }
0xf: {  	[smem:$0x3F9F] =	sst s7  }
0x10: {  	[smem:$0x3FA0] =	sst s8  }
0x11: {  	[smem:$0x3FA1] =	sst s9;
	s0 =	simm.s32 @!p0 $0x0  }
0x12: {  	s1 =	sld [smem:$0x3F87];
	s0 =	simm.s32 @p0 $0x1  }
0x13: {  	[smem:$0x3FA2] =	sst s0;
	s0 =	simm.s32 @!p1 $0x0  }
0x14: {  	s2 =	sld [smem:$0x3F86];
	s0 =	simm.s32 @p1 $0x1  }
0x15: {  	[smem:$0x3FA3] =	sst s0;
	s0 =	simm.s32 @!p2 $0x0  }
0x16: {  	s3 =	sld [smem:$0x3FDB];
	s0 =	simm.s32 @p2 $0x1  }
0x17: {  	s4 =	simm.s32 $0x1BF5;
	[smem:$0x3FA5] =	sst s0  }
0x18: {  	s0 =	sld [smem:$0x3F88];
	_ =	swait.ge [sflag:s4], $0x0  }
0x19: {  	s7 =	sld [smem:$0x3F89]  }
0x1a: {  	s8 =	sadd.s32 $0xFFFFE003, lr  }
0x1b: {  	s9 =	sadd.s32 $0xFFFFFEF7, lr;
	s5 =	simm.s32 $0xFFFFFFFF;
	p2 =	slt.u32 s8, $0xFFFFF086  }
0x1c: {  	p1 =	slt.u32 s9, $0xF7A;
	s5 =	simm.s32 @!p2 $0x0  }
0x1d: {  	s5 =	simm.s32 @p1 $0x1;
	p0 =	seq.s32 s7, s2  }
0x1e: {  	s7 =	smul.u32 @!p0 $0xF7A, s2;
	p2 =	seq.s32 @!p0 s5, $0x0  }
0x1f: {  	s9 =	smul.u32 $0xF7A, s1;
	s8 =	simm.s32 @!p0 $0x1BF5;
	p2 =	por !p2, p0  }
0x20: {  	[sflag:s8] =	ssyncset.s32 @!p0 $0xFFFFF086;
	s6 =	sadd.s32 @!p0 s3, s7;
	s7 =	simm.s32 @!p0 $0x108  }
0x21: {  	s3 =	sadd.s32 s3, s9;
	s6 =	sadd.s32 @!p0 $0x88, s6;
	s7 =	simm.s32 @p2 $0x1082  }
0x22: {  	[simem:s7], [sflag:s8] =	dma.local @!p0 [hbm:s6], $0xF7A  }
0x23: {  	s9 =	sor.u32 $0xD0000000, s2;
	s6 =	simm.s32 $0x108;
	_ =	swait.ge @!p0 [sflag:s8], $0x0  }
0x24: {  	s3 =	sadd.s32 $0x88, s3;
	s6 =	simm.s32 @!p1 $0x1082;
	[sflag:s4] =	ssyncset.s32 $0xFFFFF086  }
0x25: {  	[simem:s6], [sflag:s4] =	dma.local [hbm:s3], $0xF7A  }
0x26: {  	[smem:$0x3F89] =	sst s1;
	(tag) =	ssettag s2;
	_ =	strace s9  }
0x27: {  	s1 =	sld [smem:$0x3F99]  }
0x28: {  	s2 =	sld [smem:$0x3F9A]  }
0x29: {  	s4 =	sld [smem:$0x3F9C]  }
0x2a: {  	p0 =	seq.s32 s5, $0x0;
	s5 =	sld [smem:$0x3F9D]  }
0x2b: {  	s6 =	sld [smem:$0x3F9E]  }
0x2c: {  	s7 =	sld [smem:$0x3F9F]  }
0x2d: {  	s3 =	simm.s32 $0x108;
	s8 =	sld [smem:$0x3FA0]  }
0x2e: {  	s3 =	simm.s32 @!p0 $0x1082;
	s9 =	sld [smem:$0x3FA1]  }
0x2f: {  	lr =	sadd.s32 s0, s3;
	s0 =	sld [smem:$0x3F98]  }
0x30: {  	s3 =	sld [smem:$0x3F9B]  }
0x31: {  	[smem:$0x3FA4] =	sst s10  }
0x32: {  	s10 =	sld [smem:$0x3FA2];
	_ =	sdelay $0x3  }
0x33: {  	p0 =	seq.s32 s10, $0x1;
	s10 =	sld [smem:$0x3FA4];
	_ =	sdelay $0x3  }
0x34: {  	[smem:$0x3FA4] =	sst s10  }
0x35: {  	s10 =	sld [smem:$0x3FA3];
	_ =	sdelay $0x3  }
0x36: {  	p1 =	seq.s32 s10, $0x1;
	s10 =	sld [smem:$0x3FA4];
	_ =	sdelay $0x3  }
0x37: {  	[smem:$0x3FA4] =	sst s10  }
0x38: {  	s10 =	sld [smem:$0x3FA5]  }
0x39: {  	_ = 	snop;
	(pc) =	sbr.ind lr, $3  }
0x3a: {  	_ = 	snop  }
0x3b: {  	_ = 	snop  }
0x3c: {  	p2 =	seq.s32 s10, $0x1;
	s10 =	sld [smem:$0x3FA4]  }
0x3d: {  	_ =	shalt  }
0x3e: {  	_ =	shalt  }
0x3f: {  	_ =	shalt  }
0x40: {  	_ =	shalt  }
0x41: {  	_ =	shalt  }
0x42: {  	_ =	shalt  }
0x43: {  	_ =	shalt  }
0x44: {  	_ =	shalt  }
0x45: {  	_ =	shalt  }
0x46: {  	_ =	shalt  }
0x47: {  	_ =	shalt  }
0x48: {  	_ =	shalt  }
0x49: {  	_ =	shalt  }
0x4a: {  	_ =	shalt  }
0x4b: {  	_ =	shalt  }
0x4c: {  	_ =	shalt  }
0x4d: {  	_ =	shalt  }
0x4e: {  	_ =	shalt  }
0x4f: {  	_ =	shalt  }
0x50: {  	_ =	shalt  }
0x51: {  	_ =	shalt  }
0x52: {  	_ =	shalt  }
0x53: {  	_ =	shalt  }
0x54: {  	_ =	shalt  }
0x55: {  	_ =	shalt  }
0x56: {  	_ =	shalt  }
0x57: {  	_ =	shalt  }
0x58: {  	_ =	shalt  }
0x59: {  	_ =	shalt  }
0x5a: {  	_ =	shalt  }
0x5b: {  	_ =	shalt  }
0x5c: {  	_ =	shalt  }
0x5d: {  	_ =	shalt  }
0x5e: {  	_ =	shalt  }
0x5f: {  	_ =	shalt  }
0x60: {  	_ =	shalt  }
0x61: {  	_ =	shalt  }
0x62: {  	_ =	shalt  }
0x63: {  	_ =	shalt  }
0x64: {  	_ =	shalt  }
0x65: {  	_ =	shalt  }
0x66: {  	_ =	shalt  }
0x67: {  	_ =	shalt  }
0x68: {  	_ =	shalt  }
0x69: {  	_ =	shalt  }
0x6a: {  	_ =	shalt  }
0x6b: {  	_ =	shalt  }
0x6c: {  	_ =	shalt  }
0x6d: {  	_ =	shalt  }
0x6e: {  	_ =	shalt  }
0x6f: {  	_ =	shalt  }
0x70: {  	_ =	shalt  }
0x71: {  	_ =	shalt  }
0x72: {  	_ =	shalt  }
0x73: {  	_ =	shalt  }
0x74: {  	_ =	shalt  }
0x75: {  	_ =	shalt  }
0x76: {  	_ =	shalt  }
0x77: {  	_ =	shalt  }
0x78: {  	_ =	shalt  }
0x79: {  	_ =	shalt  }
0x7a: {  	_ =	shalt  }
0x7b: {  	_ =	shalt  }
0x7c: {  	_ =	shalt  }
0x7d: {  	_ =	shalt  }
0x7e: {  	_ =	shalt  }
0x7f: {  	_ =	shalt  }
0x80: {  	_ =	shalt  }
0x81: {  	_ =	shalt  }
0x82: {  	_ =	shalt  }
0x83: {  	_ =	shalt  }
0x84: {  	_ =	shalt  }
0x85: {  	_ =	shalt  }
0x86: {  	_ =	shalt  }
0x87: {  	_ =	shalt  }
.Lfunc_end0:
.L_simem_size_0:
called_computation.4_lowered:
.L_overlay_start_0:
0x88: {  	s2 =	sld [smem:$0x3FD9]  }
0x89: {  	s3 =	sld [smem:$0x3FFE];
	_ =	sdelay $0x1  }
0x8a: {  	s1 =	srdreg.scid  }
0x8b: {  	s0 =	sand.u32 $0x1, s1  }
0x8c: {  	s16 =	sshll.u32 s0, $0xA;
	s2 =	sadd.s32 s3, s2  }
0x8d: {  	s2 =	sadd.s32 s2, s16  }
0x8e: {  	[smem:$0x3FB0] =	sst s2  }
0x8f: {  	_ = 	snop  }
0x90: {  	(tm) =	ssettm $0x1  }
0x91: {  	s17 =	sld [smem:$0x3FFB];
	_ =	sdelay $0x3  }
0x92: {  	_ =	strace s17  }
0x93: {  	s2 =	sld [smem:$0x3FFC];
	_ =	sdelay $0x3  }
0x94: {  	_ =	strace s2  }
0x95: {  	s2 =	sld [smem:$0x3FFD];
	_ =	sdelay $0x3  }
0x96: {  	_ =	strace s2  }
0x97: {  	_ =	strace $0x8FFFFFFF  }
0x98: {  	s18 =	sld [smem:$0x3FDB];
	_ =	sdelay $0x1  }
0x99: {  	s19 =	simm.s32 $_scs_section_size  }
0x9a: {  	s4 =	simm.s32 $_size__tile_overlayer_lowered;
	s5 =	simm.s32 $_tile_overlayer_lowered  }
0x9b: {  	s22 =	simm.s32 $0x1BFF;
	s21 =	sshll.u32 s5, $0x1;
	s2 =	sadd.s32 s19, s18  }
0x9c: {  	s6 =	simm.s32 $0x0;
	s20 =	sshll.u32 s4, $0x1;
	s4 =	sadd.s32 s21, s2  }
0x9d: {  	[timem:s6], [sflag:s22] =	dma.local [hbm:s4], s20  }
0x9e: {  	_ =	swait.ge [sflag:s22], s20  }
0x9f: {  	s3 =	ssub.s32 $0x0, s20;
	[sflag:s22] =	ssyncset.done $0x0  }
0xa0: {  	[sflag:s22] =	ssyncadd.s32 s3;
	_ =	sdelay $0x1  }
0xa1: {  	s23 =	simm.s32 $0x1B8B  }
0xa2: {  	_ =	swait.ge [sflag:s23], $0x1  }
0xa3: {  	[sflag:s23] =	ssyncset.done $0x0  }
0xa4: {  	s25 =	simm.s32 $0x1B8E;
	s24 =	sld [smem:$0x3FFE];
	[sflag:s23] =	ssyncadd.s32 $0xFFFFFFFF  }
0xa5: {  	s26 =	simm.s32 $execute0_lowered;
	[smem:$0x3FD2] =	sst s25  }
0xa6: {  	s4 =	sshll.u32 s26, $0x1;
	_ =	strace $0x80000052;
	[dreg:$0x1] =	wrdreg $0xFFFFFFFF  }
0xa7: {  	s28 =	simm.s32 $_size_execute0_lowered;
	s2 =	sadd.s32 s2, s4;
	[dreg:$0x0] =	wrdreg $0x0  }
0xa8: {  	s4 =	sshll.u32 s28, $0x1;
	[dreg:$0x2] =	wrdreg s2  }
0xa9: {  	[dreg:$0x3] =	wrdreg s4  }
0xaa: {  	[dreg:$0x4] =	wrdreg $0xC0  }
0xab: {  	_ =	task [dreg:s6], $0x5FFFF  }
0xac: {  	[dreg:$0x1] =	wrdreg $0xFFFFFFFF  }
0xad: {  	[dreg:$0x0] =	wrdreg $0x60  }
0xae: {  	[dreg:$0x2] =	wrdreg s24  }
0xaf: {  	[dreg:$0x3] =	wrdreg $0x9  }
0xb0: {  	_ =	task.clear_ibuf [dreg:s6], $0x4FFFF;
	_ =	strace $0x90000052  }
0xb1: {  	s29 =	simm.s32 $0x9;
	_ =	strace $0x80000054  }
0xb2: {  	_ =	swait.ge [sflag:s29], $0x1  }
0xb3: {  	[sflag:s29] =	ssyncadd.s32 $0xFFFFFFFF  }
0xb4: {  	_ =	strace $0x90000054  }
0xb5: {  	_ =	sfence  }
0xb6: {  	s30 =	sld [smem:$0x0];
	_ =	sdelay $0x2  }
0xb7: {  	s31 =	sshll.u32 s1, $0xD;
	s1 =	sshrl.u32 s1, $0x2  }
0xb8: {  	s3 =	sand.u32 $0x4000, s31;
	s1 =	sadd.s32 s1, s30  }
0xb9: {  	s0 =	sor.u32 s3, s0;
	s1 =	sshll.u32 s1, $0x11  }
0xba: {  	s0 =	sor.u32 s1, s0  }
0xbb: {  	s0 =	sadd.s32 $0x8F2B, s0  }
0xbc: {  	[sflag:s0] =	ssyncadd.remote.s32 $0x1  }
0xbd: {  	_ =	sfence.sel $0xFFFF  }
0xbe: {  	[dreg:$0x0] =	wrdreg $0xFFFFFFFF;
	(pc) =	sbr.abs _section_cstart, $3  }
0xbf: {  	[dreg:$0x1] =	wrdreg $0xFFFFFFFF  }
0xc0: {  	_ =	task.clear_ibuf [dreg:s6], $0x2FFFF;
	_ =	strace $0x9FFFFFFF  }
0xc1: {  	(tm) =	ssettm $0x7FFFFFFF  }
tec
execute0_lowered:
.L_overlay_start_1:
0x0: {  	(tag) =	ssettag $0x1  }
0x1: {  	s4 =	rddreg [dreg:$0x0]  }
0x2: {  	s0 =	rddreg [dreg:$0x1];
	s2 =	simm.s32 $0x0;
	s1 =	stileid.u32  }
0x3: {  	s3 =	srdreg.scid;
	s10 =	simm.s32 $0x0;
	s6 =	smul.u32 $0x2800, s1  }
0x4: {  	[smem:$0x7FF] =	sst s2;
	s5 =	sand.u32 $0x1, s3;
	s8 =	smul.u32 $0x14000, s1  }
0x5: {  	s3 =	sadd.s32 $0x4800, s4;
	s7 =	smul.u32 $0x1400, s5;
	s9 =	ssub.s32 $0x2, s5  }
0x6: {  	_ =	strace $0x80000053;
	s5 =	smul.u32 $0xA000, s5;
	s31 =	sshrl.u32 s9, $0x1  }
0x7: {  	s8 =	sadd.s32 s8, s4;
	s6 =	sadd.s32 s7, s6;
	s7 =	ssub.s32 s9, s31  }
0x8: {  	s5 =	sadd.s32 s5, s8;
	s8 =	simm.s32 $0x80;
	s6 =	sshrl.u32 s6, $0x3  }
0x9: {  	s9 =	simm.s32 $0x1;
	s5 =	sadd.s32 $0x19800, s5;
	s6 =	sadd.s32 s6, s4  }
0xa: {  	s4 =	smax.u32 s7, $0x1;
	s7 =	simm.s32 $0x2;
	s6 =	sadd.s32 $0x14800, s6  }
.LBB2_1:
0xb: {  	s11 =	sadd.s32 $0x0, s6  }
0xc: {  	[tilespmem:s2], [sflag:$0x2] =	stream.linear.gather [hbm4b:s11+s2], $0x80, $0x38;
	[tilespmem:$0x2080] =	vst v63  }
0xd: {  	_ =	swait.ge [sflag:s7], $0x80  }
0xe: {  	[sflag:s7] =	ssyncset.done $0x0  }
0xf: {  	[sflag:s7] =	ssyncadd.s32 $0xFFFFFF80  }
0x10: {  	[tilespmem:s8], [sflag:$0x1] =	stream.indirect.gather [hbm4b:s3+s8], $0x40, s2, s8, $0xb8;
	[tilespmem:$0x2080] =	vst v63  }
0x11: {  	_ =	swait.ge [sflag:s9], $0x2000  }
0x12: {  	[sflag:s9] =	ssyncset.done $0x0  }
0x13: {  	[sflag:s9] =	ssyncadd.s32 $0xFFFFE000  }
0x14: {  	[hbm4b:s5+s2] =	stream.linear.scatter [tilespmem:s8], [sflag:$0x2], $0x2000, $0x38;
	[tilespmem:$0x2080] =	vst v63  }
0x15: {  	s12 =	simm.s32 $0x10;
	_ =	swait.ge [sflag:s7], $0x2000  }
0x16: {  	s13 =	simm.s32 $0x20;
	s11 =	sadd.s32 $0x400, s5;
	[sflag:s7] =	ssyncset.done $0x0  }
.LBB2_2:
0x17: {  	s14 =	sadd.s32 s12, s6  }
0x18: {  	[sflag:s7] =	ssyncadd.s32 $0xFFFFE000;
	s12 =	smov.u32 s13;
	s15 =	sadd.s32 $0x10, s13  }
0x19: {  	[tilespmem:s2], [sflag:$0x2] =	stream.linear.gather [hbm4b:s14+s2], $0x80, $0x38;
	[tilespmem:$0x2080] =	vst v63  }
0x1a: {  	p0 =	sne.s32 s13, $0x270;
	_ =	swait.ge [sflag:s7], $0x80  }
0x1b: {  	[sflag:s7] =	ssyncset.done $0x0  }
0x1c: {  	[sflag:s7] =	ssyncadd.s32 $0xFFFFFF80  }
0x1d: {  	[tilespmem:s8], [sflag:$0x1] =	stream.indirect.gather [hbm4b:s3+s8], $0x40, s2, s8, $0xb8;
	[tilespmem:$0x2080] =	vst v63  }
0x1e: {  	_ =	swait.ge [sflag:s9], $0x2000  }
.Ltmp0:
0x1f: {  	[sflag:s9] =	ssyncset.done $0x0;
	(pc) =	sbr.rel @p0 .LBB2_2-.Ltmp0, $4  }
0x20: {  	[sflag:s9] =	ssyncadd.s32 $0xFFFFE000  }
0x21: {  	[hbm4b:s11+s2] =	stream.linear.scatter [tilespmem:s8], [sflag:$0x2], $0x2000, $0x38;
	[tilespmem:$0x2080] =	vst v63  }
0x22: {  	_ =	swait.ge [sflag:s7], $0x2000  }
0x23: {  	s13 =	smov.u32 s15;
	s11 =	sadd.s32 $0x400, s11;
	[sflag:s7] =	ssyncset.done $0x0  }
0x24: {  	s12 =	sadd.s32 s12, s6;
	[sflag:s7] =	ssyncadd.s32 $0xFFFFE000  }
0x25: {  	[tilespmem:s2], [sflag:$0x2] =	stream.linear.gather [hbm4b:s12+s2], $0x80, $0x38;
	[tilespmem:$0x2080] =	vst v63  }
0x26: {  	_ =	swait.ge [sflag:s7], $0x80  }
0x27: {  	[sflag:s7] =	ssyncset.done $0x0  }
0x28: {  	[sflag:s7] =	ssyncadd.s32 $0xFFFFFF80  }
0x29: {  	[tilespmem:s8], [sflag:$0x1] =	stream.indirect.gather [hbm4b:s3+s8], $0x40, s2, s8, $0xb8;
	[tilespmem:$0x2080] =	vst v63  }
0x2a: {  	s10 =	sadd.s32 $0x1, s10;
	_ =	swait.ge [sflag:s9], $0x2000  }
0x2b: {  	p0 =	sne.s32 s10, s4;
	[sflag:s9] =	ssyncset.done $0x0  }
.Ltmp1:
0x2c: {  	[sflag:s9] =	ssyncadd.s32 $0xFFFFE000;
	(pc) =	sbr.rel @p0 .LBB2_1-.Ltmp1, $4  }
0x2d: {  	[hbm4b:s11+s2] =	stream.linear.scatter [tilespmem:s8], [sflag:$0x2], $0x2000, $0x38;
	[tilespmem:$0x2080] =	vst v63  }
0x2e: {  	_ =	swait.ge [sflag:s7], $0x2000  }
0x2f: {  	[sflag:s7] =	ssyncset.done $0x0  }
0x30: {  	[sflag:s7] =	ssyncadd.s32 $0xFFFFE000  }
0x31: {  	_ =	sfence.sel $0x180000  }
0x32: {  	[bflag:$0x0] =	sbarrier.arrive $0xFFFF  }
0x33: {  	p0 =	sne.s32 s1, $0x0;
	_ =	strace $0x90000053  }
0x34: {  	s0 =	sadd.s32 @!p0 $0x100000, s0;
	[bflag:$0x2] =	sbarrier.arrive $0xFFFF  }
0x35: {  	[sflag:s0] =	ssyncadd.tile.s32 @!p0 $0x1;
	_ =	shalt  }
.Lfunc_end2:
_tile_overlayer_lowered:
.L_overlay_start_2:
0x36: {  	(tag) =	ssettag $0x2  }
0x37: {  	s0 =	rddreg [dreg:$0x0];
	s2 =	stileid.u32  }
0x38: {  	s1 =	rddreg [dreg:$0x1];
	p0 =	sne.s32 s2, $0x0  }
0x39: {  	s3 =	rddreg [dreg:$0x2];
	[bflag:$0x3] =	sbarrier.arrive $0xFFFF;
	s2 =	simm.s32 @!p0 $0x1C02  }
0x3a: {  	[timem:s3], [sflag:s2] =	dma.local @!p0 [hbm:s0], s1  }
0x3b: {  	s0 =	simm.s32 @!p0 $0x2  }
0x3c: {  	_ =	swait.ge @!p0 [sflag:s0], s1  }
0x3d: {  	s1 =	ssub.s32 @!p0 $0x0, s1;
	[sflag:s0] =	ssyncset.done @!p0 $0x0  }
0x3e: {  	[sflag:s0] =	ssyncadd.s32 @!p0 s1  }
0x3f: {  	[bflag:$0x3] =	sbarrier.arrive $0xFFFF  }
0x40: {  	_ =	shalt  }

</sc_bundles>
